<compile_context>
chip_gen: v7x
topology: tpu7x:2x2x1
jax: 0.10.2.dev20260603
libtpu: 0.0.44.dev20260713+nightly
codegen_flags: <defaults>
</compile_context>

<pallas_src>
import functools

import jax
import jax.numpy as jnp
from jax import lax
from jax.experimental import pallas as pl
from jax.experimental.pallas import tpu as pltpu
from jax.experimental.pallas import tpu_sc as plsc

NV = 6890
P = 1024
NVP = 6912
NQ = NVP // 4
VW = 128
KT = 2304
NKT = NVP // KT
WRB = 48
NWRB = NQ // WRB


def _repack(gm, v):
    def rp_fn(gm_ref, v_ref, gmq_ref, vp_ref):
        x = gm_ref[...]
        xp = jnp.pad(x, ((0, 0), (0, NVP - NV)))
        gmq_ref[...] = pltpu.bitcast(xp, jnp.int32)

        @pl.when(pl.program_id(0) == 0)
        def _():
            vp_ref[...] = jnp.pad(v_ref[...], ((0, 0), (0, VW - 3)))

    return pl.pallas_call(
        rp_fn,
        grid=(NWRB,),
        in_specs=[
            pl.BlockSpec((4 * WRB, NV), lambda r: (r, 0)),
            pl.BlockSpec((NV, 3), lambda r: (0, 0)),
        ],
        out_specs=[
            pl.BlockSpec((WRB, NVP), lambda r: (r, 0)),
            pl.BlockSpec((NV, VW), lambda r: (0, 0)),
        ],
        out_shape=[
            jax.ShapeDtypeStruct((NQ, NVP), jnp.int32),
            jax.ShapeDtypeStruct((NV, VW), jnp.float32),
        ],
    )(gm, v)


def _sc_gather(pc, pcq, gmq, vpad):
    info = plsc.get_sparse_core_info()
    nw = info.num_cores * info.num_subcores
    rpw = P // nw
    qtr = rpw // 4
    nch = 4

    mesh = plsc.VectorSubcoreMesh(core_axis_name="c", subcore_axis_name="s")

    @functools.partial(
        pl.kernel,
        mesh=mesh,
        out_type=[
            jax.ShapeDtypeStruct((P, NVP), jnp.int32),
            jax.ShapeDtypeStruct((P, VW), jnp.float32),
        ],
        scratch_types=[
            pltpu.VMEM((rpw,), jnp.int32),
            pltpu.VMEM((nch, qtr), jnp.int32),
            pltpu.VMEM((2, qtr, NVP), jnp.int32),
            pltpu.VMEM((rpw, VW), jnp.float32),
            pltpu.SemaphoreType.DMA,
            pltpu.SemaphoreType.DMA,
        ],
    )
    def sc_fn(pc_hbm, pcq_hbm, gmq_hbm, vpad_hbm, grow_hbm, vpg_hbm,
              vidx_v, idx_v, rows_v, vrows_v, vsem, sem):
        wid = lax.axis_index("s") * info.num_cores + lax.axis_index("c")
        base = wid * rpw
        pltpu.sync_copy(pc_hbm.at[pl.ds(base, rpw)], vidx_v)
        cpv = pltpu.async_copy(vpad_hbm.at[vidx_v], vrows_v, vsem)
        for ch in range(nch):
            pltpu.sync_copy(pcq_hbm.at[pl.ds(base + ch * qtr, qtr)],
                            idx_v.at[ch])
        cps = [None] * nch
        for ch in range(2):
            cps[ch] = pltpu.async_copy(gmq_hbm.at[idx_v.at[ch]],
                                       rows_v.at[ch % 2], sem)
        for ch in range(nch):
            cps[ch].wait()
            pltpu.sync_copy(rows_v.at[ch % 2],
                            grow_hbm.at[pl.ds(base + ch * qtr, qtr)])
            if ch + 2 < nch:
                cps[ch + 2] = pltpu.async_copy(gmq_hbm.at[idx_v.at[ch + 2]],
                                               rows_v.at[ch % 2], sem)
        cpv.wait()
        pltpu.sync_copy(vrows_v, vpg_hbm.at[pl.ds(base, rpw)])

    return sc_fn(pc, pcq, gmq, vpad)


def _tc_loss(pc_row, psh_col, vpg, grow):
    def tc_fn(pc_ref, psh_ref, vp_ref, g_ref, out_ref, acc_ref):
        kt = pl.program_id(0)

        @pl.when(kt == 0)
        def _():
            acc_ref[...] = jnp.zeros((P, P), jnp.float32)

        w = g_ref[...]
        ext = (w >> psh_ref[...]) & 1
        kio = lax.broadcasted_iota(jnp.int32, (KT, P), 0) + kt * KT
        oh = (kio == pc_ref[...]).astype(jnp.bfloat16)
        acc_ref[...] += jnp.dot(ext.astype(jnp.bfloat16), oh,
                                preferred_element_type=jnp.float32)

        @pl.when(kt == NKT - 1)
        def _():
            vp = vp_ref[...]
            s = jnp.zeros((P, P), jnp.float32)
            for c in range(3):
                col = vp[:, c:c + 1]
                e = (lax.broadcasted_iota(jnp.int32, (1, VW), 1) == c
                     ).astype(jnp.float32)
                row = lax.dot_general(e, vp, (((1,), (1,)), ((), ())),
                                      preferred_element_type=jnp.float32)
                d = col - row
                s = s + d * d
            big = jnp.float32(3.0e37)
            sm = jnp.where(acc_ref[...] > 0.5, s, big)
            rmin = jnp.min(sm, axis=1, keepdims=True)
            rmin = jnp.where(rmin >= big * 0.5, s[:, 0:1], rmin)
            out_ref[0, 0] = jnp.mean(jnp.tanh(jnp.sqrt(rmin)))

    out = pl.pallas_call(
        tc_fn,
        grid=(NKT,),
        in_specs=[
            pl.BlockSpec((1, P), lambda kt: (0, 0)),
            pl.BlockSpec((P, 1), lambda kt: (0, 0)),
            pl.BlockSpec((P, VW), lambda kt: (0, 0)),
            pl.BlockSpec((P, KT), lambda kt: (0, kt)),
        ],
        out_specs=pl.BlockSpec(memory_space=pltpu.SMEM),
        out_shape=jax.ShapeDtypeStruct((1, 1), jnp.float32),
        scratch_shapes=[pltpu.VMEM((P, P), jnp.float32)],
    )(pc_row, psh_col, vpg, grow)
    return out[0, 0]


def kernel(presented_contact, vertices, geomask):
    pc = presented_contact.astype(jnp.int32)
    gm8 = geomask.view(jnp.uint8)
    gmq, vpad = _repack(gm8, vertices[0])
    grow, vpg = _sc_gather(pc, pc >> 2, gmq, vpad)
    psh = ((pc & 3) * 8).reshape(P, 1)
    return _tc_loss(pc.reshape(1, P), psh, vpg, grow)

# --- scband reference (transcript-rebuilt; emitter-appended) ---
"""Pipeline reference for scband-mimicked-self-contact-loss-45664092291589 (READ-ONLY COPY).

The authoritative reference and input builder live on the scoring server;
editing this copy changes nothing except your own understanding.
"""

import jax, jax.numpy as jnp
import numpy as np

NV = 6890
P = 1024


def setup_inputs(seed: int = 0) -> dict:
    key = jax.random.key(seed)
    k1, k2, k3 = jax.random.split(key, 3)
    vertices = jax.random.normal(k1, (1, NV, 3), dtype=jnp.float32)
    presented_contact = jax.random.randint(k2, (P,), 0, NV, dtype=jnp.int64 if jax.config.read('jax_enable_x64') else jnp.int32)
    m = jax.random.uniform(k3, (NV, NV)) < 0.95
    m = m & m.T
    m = m & (~jnp.eye(NV, dtype=bool))
    return {"presented_contact": presented_contact, "vertices": vertices, "geomask": m}


def reference(presented_contact, vertices, geomask):
    # forward of MimickedSelfContactLoss with v2v=None, contact_mode='dist_tanh', contact_thresh=1
    verts = vertices  # [1, NV, 3]
    v = verts[0]      # squeeze batch of 1 -> [NV, 3]
    diff = v[:, None, :] - v[None, :, :]          # [NV, NV, 3]
    s = jnp.sum(diff * diff, axis=2)              # [NV, NV]
    safe = jnp.where(s == 0.0, 1.0, s)
    v2v = jnp.where(s == 0.0, 0.0, jnp.sqrt(safe))  # torch.norm(v2v, 2, 2)

    # no_grad block: nearest allowed contact vertex per presented_contact vertex
    cv = v2v[presented_contact, :][:, presented_contact]       # [P, P] gather
    mg = geomask[presented_contact, :][:, presented_contact]   # [P, P] gather
    weights = jnp.where(mg, 1.0, jnp.inf)
    min_idx = jnp.argmin((cv + 1.0) * weights, axis=1)          # torch.min(...)[1]
    min_idx = presented_contact[min_idx]

    v2v_min = v2v[presented_contact, min_idx]
    contact_thresh = 1.0
    contactloss = (contact_thresh * jnp.tanh(v2v_min / contact_thresh)).mean()
    return contactloss

if __name__ == "__main__":
    import jax
    _d = setup_inputs()
    print(jax.jit(kernel)(*tuple(_d.values())))

</pallas_src>

<mosaic_0001>
#map = affine_map<(d0, d1) -> (0)>
#map1 = affine_map<(d0, d1) -> (0, 0)>
module attributes {stable_mosaic.version = 14 : i64} {
  func.func @sc_fn(%arg0: i32, %arg1: i32, %arg2: memref<1024xi32, #tpu.memory_space<hbm>>, %arg3: memref<1024xi32, #tpu.memory_space<hbm>>, %arg4: memref<1728x6912xi32, #tpu.memory_space<hbm>>, %arg5: memref<6890x128xf32, #tpu.memory_space<hbm>>, %arg6: memref<1024x6912xi32, #tpu.memory_space<hbm>>, %arg7: memref<1024x128xf32, #tpu.memory_space<hbm>>, %arg8: memref<32xi32, #tpu.memory_space<vmem>>, %arg9: memref<4x8xi32, #tpu.memory_space<vmem>>, %arg10: memref<2x8x6912xi32, #tpu.memory_space<vmem>>, %arg11: memref<32x128xf32, #tpu.memory_space<vmem>>, %arg12: memref<!tpu.dma_semaphore, #tpu.memory_space<semaphore_mem>>, %arg13: memref<!tpu.dma_semaphore, #tpu.memory_space<semaphore_mem>>) attributes {dimension_semantics = [#tpu.dimension_semantics<core_parallel>, #tpu.dimension_semantics<subcore_parallel>], iteration_bounds = array<i64: 2, 16>, scalar_prefetch = 0 : i64, scratch_operands = 6 : i64, tpu.core_type = #tpu.core_type<sc_vector_subcore>, window_params = [{transform_indices = #map}, {transform_indices = #map}, {transform_indices = #map1}, {transform_indices = #map1}, {transform_indices = #map1}, {transform_indices = #map1}]} {
    %mul3A = arith.constant 2 : i32
    %mul3A_0 = arith.muli %arg1, %mul3A : i32
    %add3A = arith.addi %mul3A_0, %arg0 : i32
    %mul3A_1 = arith.constant 32 : i32
    %mul3A_2 = arith.muli %add3A, %mul3A_1 : i32
    "tpu.region"() ({
      %run_scoped3A_126 = tpu.sem_alloc : memref<!tpu.dma_semaphore, #tpu.memory_space<semaphore_mem>>
      %dma_start3A_127 = tpu.memref_slice %arg2[%mul3A_2] : memref<1024xi32, #tpu.memory_space<hbm>> -> memref<32xi32, #tpu.memory_space<hbm>>
      %dma_start3A_128 = tpu.memref_slice %arg2[%mul3A_2] : memref<1024xi32, #tpu.memory_space<hbm>> -> memref<32xi32, #tpu.memory_space<hbm>>
      tpu.enqueue_dma source(%dma_start3A_128 : memref<32xi32, #tpu.memory_space<hbm>>) target(%arg8 : memref<32xi32, #tpu.memory_space<vmem>>) target_semaphore(%run_scoped3A_126 : memref<!tpu.dma_semaphore, #tpu.memory_space<semaphore_mem>>)
      %dma_wait3A_129 = tpu.memref_slice %arg2[%mul3A_2] : memref<1024xi32, #tpu.memory_space<hbm>> -> memref<32xi32, #tpu.memory_space<hbm>>
      %dma_wait3A_130 = tpu.memref_slice %arg2[%mul3A_2] : memref<1024xi32, #tpu.memory_space<hbm>> -> memref<32xi32, #tpu.memory_space<hbm>>
      tpu.wait_dma2 semaphore(%run_scoped3A_126 : memref<!tpu.dma_semaphore, #tpu.memory_space<semaphore_mem>>) src(%dma_wait3A_130 : memref<32xi32, #tpu.memory_space<hbm>>) dst(%arg8 : memref<32xi32, #tpu.memory_space<vmem>>)
      tpu.yield
    }) : () -> ()
    %dma_start3A = arith.constant 0 : i32
    %dma_start3A_3 = arith.constant 0 : i32
    %dma_start3A_4 = tpu.memref_slice %arg5[%dma_start3A, %dma_start3A_3] : memref<6890x128xf32, #tpu.memory_space<hbm>> -> memref<6890x128xf32, #tpu.memory_space<hbm>>
    tpu.enqueue_indirect_dma source(%dma_start3A_4 : memref<6890x128xf32, #tpu.memory_space<hbm>>) target(%arg11 : memref<32x128xf32, #tpu.memory_space<vmem>>) offsets(%arg8 : memref<32xi32, #tpu.memory_space<vmem>>) semaphore(%arg12 : memref<!tpu.dma_semaphore, #tpu.memory_space<semaphore_mem>>)
    %add3A_5 = arith.constant 0 : i32
    %add3A_6 = arith.addi %mul3A_2, %add3A_5 : i32
    %run_scoped3A = arith.constant 0 : i32
    "tpu.region"() ({
      %run_scoped3A_126 = tpu.sem_alloc : memref<!tpu.dma_semaphore, #tpu.memory_space<semaphore_mem>>
      %dma_start3A_127 = arith.constant 0 : i32
      %dma_start3A_128 = tpu.memref_slice %arg9[%run_scoped3A, %dma_start3A_127] : memref<4x8xi32, #tpu.memory_space<vmem>> -> memref<1x8xi32, #tpu.memory_space<vmem>>
      %dma_start3A_129 = tpu.memref_squeeze %dma_start3A_128 : memref<1x8xi32, #tpu.memory_space<vmem>> -> memref<8xi32, #tpu.memory_space<vmem>>
      %dma_start3A_130 = tpu.memref_slice %arg3[%add3A_6] : memref<1024xi32, #tpu.memory_space<hbm>> -> memref<8xi32, #tpu.memory_space<hbm>>
      %dma_start3A_131 = arith.constant 0 : i32
      %dma_start3A_132 = tpu.memref_slice %arg9[%run_scoped3A, %dma_start3A_131] : memref<4x8xi32, #tpu.memory_space<vmem>> -> memref<1x8xi32, #tpu.memory_space<vmem>>
      %dma_start3A_133 = tpu.memref_squeeze %dma_start3A_132 : memref<1x8xi32, #tpu.memory_space<vmem>> -> memref<8xi32, #tpu.memory_space<vmem>>
      %dma_start3A_134 = tpu.memref_slice %arg3[%add3A_6] : memref<1024xi32, #tpu.memory_space<hbm>> -> memref<8xi32, #tpu.memory_space<hbm>>
      tpu.enqueue_dma source(%dma_start3A_134 : memref<8xi32, #tpu.memory_space<hbm>>) target(%dma_start3A_133 : memref<8xi32, #tpu.memory_space<vmem>>) target_semaphore(%run_scoped3A_126 : memref<!tpu.dma_semaphore, #tpu.memory_space<semaphore_mem>>)
      %dma_wait3A_135 = arith.constant 0 : i32
      %dma_wait3A_136 = tpu.memref_slice %arg9[%run_scoped3A, %dma_wait3A_135] : memref<4x8xi32, #tpu.memory_space<vmem>> -> memref<1x8xi32, #tpu.memory_space<vmem>>
      %dma_wait3A_137 = tpu.memref_squeeze %dma_wait3A_136 : memref<1x8xi32, #tpu.memory_space<vmem>> -> memref<8xi32, #tpu.memory_space<vmem>>
      %dma_wait3A_138 = tpu.memref_slice %arg3[%add3A_6] : memref<1024xi32, #tpu.memory_space<hbm>> -> memref<8xi32, #tpu.memory_space<hbm>>
      %dma_wait3A_139 = arith.constant 0 : i32
      %dma_wait3A_140 = tpu.memref_slice %arg9[%run_scoped3A, %dma_wait3A_139] : memref<4x8xi32, #tpu.memory_space<vmem>> -> memref<1x8xi32, #tpu.memory_space<vmem>>
      %dma_wait3A_141 = tpu.memref_squeeze %dma_wait3A_140 : memref<1x8xi32, #tpu.memory_space<vmem>> -> memref<8xi32, #tpu.memory_space<vmem>>
      %dma_wait3A_142 = tpu.memref_slice %arg3[%add3A_6] : memref<1024xi32, #tpu.memory_space<hbm>> -> memref<8xi32, #tpu.memory_space<hbm>>
      tpu.wait_dma2 semaphore(%run_scoped3A_126 : memref<!tpu.dma_semaphore, #tpu.memory_space<semaphore_mem>>) src(%dma_wait3A_142 : memref<8xi32, #tpu.memory_space<hbm>>) dst(%dma_wait3A_141 : memref<8xi32, #tpu.memory_space<vmem>>)
      tpu.yield
    }) : () -> ()
    %add3A_7 = arith.constant 8 : i32
    %add3A_8 = arith.addi %mul3A_2, %add3A_7 : i32
    %run_scoped3A_9 = arith.constant 1 : i32
    "tpu.region"() ({
      %run_scoped3A_126 = tpu.sem_alloc : memref<!tpu.dma_semaphore, #tpu.memory_space<semaphore_mem>>
      %dma_start3A_127 = arith.constant 0 : i32
      %dma_start3A_128 = tpu.memref_slice %arg9[%run_scoped3A_9, %dma_start3A_127] : memref<4x8xi32, #tpu.memory_space<vmem>> -> memref<1x8xi32, #tpu.memory_space<vmem>>
      %dma_start3A_129 = tpu.memref_squeeze %dma_start3A_128 : memref<1x8xi32, #tpu.memory_space<vmem>> -> memref<8xi32, #tpu.memory_space<vmem>>
      %dma_start3A_130 = tpu.memref_slice %arg3[%add3A_8] : memref<1024xi32, #tpu.memory_space<hbm>> -> memref<8xi32, #tpu.memory_space<hbm>>
      %dma_start3A_131 = arith.constant 0 : i32
      %dma_start3A_132 = tpu.memref_slice %arg9[%run_scoped3A_9, %dma_start3A_131] : memref<4x8xi32, #tpu.memory_space<vmem>> -> memref<1x8xi32, #tpu.memory_space<vmem>>
      %dma_start3A_133 = tpu.memref_squeeze %dma_start3A_132 : memref<1x8xi32, #tpu.memory_space<vmem>> -> memref<8xi32, #tpu.memory_space<vmem>>
      %dma_start3A_134 = tpu.memref_slice %arg3[%add3A_8] : memref<1024xi32, #tpu.memory_space<hbm>> -> memref<8xi32, #tpu.memory_space<hbm>>
      tpu.enqueue_dma source(%dma_start3A_134 : memref<8xi32, #tpu.memory_space<hbm>>) target(%dma_start3A_133 : memref<8xi32, #tpu.memory_space<vmem>>) target_semaphore(%run_scoped3A_126 : memref<!tpu.dma_semaphore, #tpu.memory_space<semaphore_mem>>)
      %dma_wait3A_135 = arith.constant 0 : i32
      %dma_wait3A_136 = tpu.memref_slice %arg9[%run_scoped3A_9, %dma_wait3A_135] : memref<4x8xi32, #tpu.memory_space<vmem>> -> memref<1x8xi32, #tpu.memory_space<vmem>>
      %dma_wait3A_137 = tpu.memref_squeeze %dma_wait3A_136 : memref<1x8xi32, #tpu.memory_space<vmem>> -> memref<8xi32, #tpu.memory_space<vmem>>
      %dma_wait3A_138 = tpu.memref_slice %arg3[%add3A_8] : memref<1024xi32, #tpu.memory_space<hbm>> -> memref<8xi32, #tpu.memory_space<hbm>>
      %dma_wait3A_139 = arith.constant 0 : i32
      %dma_wait3A_140 = tpu.memref_slice %arg9[%run_scoped3A_9, %dma_wait3A_139] : memref<4x8xi32, #tpu.memory_space<vmem>> -> memref<1x8xi32, #tpu.memory_space<vmem>>
      %dma_wait3A_141 = tpu.memref_squeeze %dma_wait3A_140 : memref<1x8xi32, #tpu.memory_space<vmem>> -> memref<8xi32, #tpu.memory_space<vmem>>
      %dma_wait3A_142 = tpu.memref_slice %arg3[%add3A_8] : memref<1024xi32, #tpu.memory_space<hbm>> -> memref<8xi32, #tpu.memory_space<hbm>>
      tpu.wait_dma2 semaphore(%run_scoped3A_126 : memref<!tpu.dma_semaphore, #tpu.memory_space<semaphore_mem>>) src(%dma_wait3A_142 : memref<8xi32, #tpu.memory_space<hbm>>) dst(%dma_wait3A_141 : memref<8xi32, #tpu.memory_space<vmem>>)
      tpu.yield
    }) : () -> ()
    %add3A_10 = arith.constant 16 : i32
    %add3A_11 = arith.addi %mul3A_2, %add3A_10 : i32
    %run_scoped3A_12 = arith.constant 2 : i32
    "tpu.region"() ({
      %run_scoped3A_126 = tpu.sem_alloc : memref<!tpu.dma_semaphore, #tpu.memory_space<semaphore_mem>>
      %dma_start3A_127 = arith.constant 0 : i32
      %dma_start3A_128 = tpu.memref_slice %arg9[%run_scoped3A_12, %dma_start3A_127] : memref<4x8xi32, #tpu.memory_space<vmem>> -> memref<1x8xi32, #tpu.memory_space<vmem>>
      %dma_start3A_129 = tpu.memref_squeeze %dma_start3A_128 : memref<1x8xi32, #tpu.memory_space<vmem>> -> memref<8xi32, #tpu.memory_space<vmem>>
      %dma_start3A_130 = tpu.memref_slice %arg3[%add3A_11] : memref<1024xi32, #tpu.memory_space<hbm>> -> memref<8xi32, #tpu.memory_space<hbm>>
      %dma_start3A_131 = arith.constant 0 : i32
      %dma_start3A_132 = tpu.memref_slice %arg9[%run_scoped3A_12, %dma_start3A_131] : memref<4x8xi32, #tpu.memory_space<vmem>> -> memref<1x8xi32, #tpu.memory_space<vmem>>
      %dma_start3A_133 = tpu.memref_squeeze %dma_start3A_132 : memref<1x8xi32, #tpu.memory_space<vmem>> -> memref<8xi32, #tpu.memory_space<vmem>>
      %dma_start3A_134 = tpu.memref_slice %arg3[%add3A_11] : memref<1024xi32, #tpu.memory_space<hbm>> -> memref<8xi32, #tpu.memory_space<hbm>>
      tpu.enqueue_dma source(%dma_start3A_134 : memref<8xi32, #tpu.memory_space<hbm>>) target(%dma_start3A_133 : memref<8xi32, #tpu.memory_space<vmem>>) target_semaphore(%run_scoped3A_126 : memref<!tpu.dma_semaphore, #tpu.memory_space<semaphore_mem>>)
      %dma_wait3A_135 = arith.constant 0 : i32
      %dma_wait3A_136 = tpu.memref_slice %arg9[%run_scoped3A_12, %dma_wait3A_135] : memref<4x8xi32, #tpu.memory_space<vmem>> -> memref<1x8xi32, #tpu.memory_space<vmem>>
      %dma_wait3A_137 = tpu.memref_squeeze %dma_wait3A_136 : memref<1x8xi32, #tpu.memory_space<vmem>> -> memref<8xi32, #tpu.memory_space<vmem>>
      %dma_wait3A_138 = tpu.memref_slice %arg3[%add3A_11] : memref<1024xi32, #tpu.memory_space<hbm>> -> memref<8xi32, #tpu.memory_space<hbm>>
      %dma_wait3A_139 = arith.constant 0 : i32
      %dma_wait3A_140 = tpu.memref_slice %arg9[%run_scoped3A_12, %dma_wait3A_139] : memref<4x8xi32, #tpu.memory_space<vmem>> -> memref<1x8xi32, #tpu.memory_space<vmem>>
      %dma_wait3A_141 = tpu.memref_squeeze %dma_wait3A_140 : memref<1x8xi32, #tpu.memory_space<vmem>> -> memref<8xi32, #tpu.memory_space<vmem>>
      %dma_wait3A_142 = tpu.memref_slice %arg3[%add3A_11] : memref<1024xi32, #tpu.memory_space<hbm>> -> memref<8xi32, #tpu.memory_space<hbm>>
      tpu.wait_dma2 semaphore(%run_scoped3A_126 : memref<!tpu.dma_semaphore, #tpu.memory_space<semaphore_mem>>) src(%dma_wait3A_142 : memref<8xi32, #tpu.memory_space<hbm>>) dst(%dma_wait3A_141 : memref<8xi32, #tpu.memory_space<vmem>>)
      tpu.yield
    }) : () -> ()
    %add3A_13 = arith.constant 24 : i32
    %add3A_14 = arith.addi %mul3A_2, %add3A_13 : i32
    %run_scoped3A_15 = arith.constant 3 : i32
    "tpu.region"() ({
      %run_scoped3A_126 = tpu.sem_alloc : memref<!tpu.dma_semaphore, #tpu.memory_space<semaphore_mem>>
      %dma_start3A_127 = arith.constant 0 : i32
      %dma_start3A_128 = tpu.memref_slice %arg9[%run_scoped3A_15, %dma_start3A_127] : memref<4x8xi32, #tpu.memory_space<vmem>> -> memref<1x8xi32, #tpu.memory_space<vmem>>
      %dma_start3A_129 = tpu.memref_squeeze %dma_start3A_128 : memref<1x8xi32, #tpu.memory_space<vmem>> -> memref<8xi32, #tpu.memory_space<vmem>>
      %dma_start3A_130 = tpu.memref_slice %arg3[%add3A_14] : memref<1024xi32, #tpu.memory_space<hbm>> -> memref<8xi32, #tpu.memory_space<hbm>>
      %dma_start3A_131 = arith.constant 0 : i32
      %dma_start3A_132 = tpu.memref_slice %arg9[%run_scoped3A_15, %dma_start3A_131] : memref<4x8xi32, #tpu.memory_space<vmem>> -> memref<1x8xi32, #tpu.memory_space<vmem>>
      %dma_start3A_133 = tpu.memref_squeeze %dma_start3A_132 : memref<1x8xi32, #tpu.memory_space<vmem>> -> memref<8xi32, #tpu.memory_space<vmem>>
      %dma_start3A_134 = tpu.memref_slice %arg3[%add3A_14] : memref<1024xi32, #tpu.memory_space<hbm>> -> memref<8xi32, #tpu.memory_space<hbm>>
      tpu.enqueue_dma source(%dma_start3A_134 : memref<8xi32, #tpu.memory_space<hbm>>) target(%dma_start3A_133 : memref<8xi32, #tpu.memory_space<vmem>>) target_semaphore(%run_scoped3A_126 : memref<!tpu.dma_semaphore, #tpu.memory_space<semaphore_mem>>)
      %dma_wait3A_135 = arith.constant 0 : i32
      %dma_wait3A_136 = tpu.memref_slice %arg9[%run_scoped3A_15, %dma_wait3A_135] : memref<4x8xi32, #tpu.memory_space<vmem>> -> memref<1x8xi32, #tpu.memory_space<vmem>>
      %dma_wait3A_137 = tpu.memref_squeeze %dma_wait3A_136 : memref<1x8xi32, #tpu.memory_space<vmem>> -> memref<8xi32, #tpu.memory_space<vmem>>
      %dma_wait3A_138 = tpu.memref_slice %arg3[%add3A_14] : memref<1024xi32, #tpu.memory_space<hbm>> -> memref<8xi32, #tpu.memory_space<hbm>>
      %dma_wait3A_139 = arith.constant 0 : i32
      %dma_wait3A_140 = tpu.memref_slice %arg9[%run_scoped3A_15, %dma_wait3A_139] : memref<4x8xi32, #tpu.memory_space<vmem>> -> memref<1x8xi32, #tpu.memory_space<vmem>>
      %dma_wait3A_141 = tpu.memref_squeeze %dma_wait3A_140 : memref<1x8xi32, #tpu.memory_space<vmem>> -> memref<8xi32, #tpu.memory_space<vmem>>
      %dma_wait3A_142 = tpu.memref_slice %arg3[%add3A_14] : memref<1024xi32, #tpu.memory_space<hbm>> -> memref<8xi32, #tpu.memory_space<hbm>>
      tpu.wait_dma2 semaphore(%run_scoped3A_126 : memref<!tpu.dma_semaphore, #tpu.memory_space<semaphore_mem>>) src(%dma_wait3A_142 : memref<8xi32, #tpu.memory_space<hbm>>) dst(%dma_wait3A_141 : memref<8xi32, #tpu.memory_space<vmem>>)
      tpu.yield
    }) : () -> ()
    %dma_start3A_16 = arith.constant 0 : i32
    %dma_start3A_17 = arith.constant 0 : i32
    %dma_start3A_18 = arith.constant 0 : i32
    %dma_start3A_19 = arith.constant 0 : i32
    %dma_start3A_20 = tpu.memref_slice %arg10[%dma_start3A_17, %dma_start3A_18, %dma_start3A_19] : memref<2x8x6912xi32, #tpu.memory_space<vmem>> -> memref<1x8x6912xi32, #tpu.memory_space<vmem>>
    %dma_start3A_21 = tpu.memref_squeeze %dma_start3A_20 : memref<1x8x6912xi32, #tpu.memory_space<vmem>> -> memref<8x6912xi32, #tpu.memory_space<vmem>>
    %dma_start3A_22 = arith.constant 0 : i32
    %dma_start3A_23 = tpu.memref_slice %arg9[%dma_start3A_16, %dma_start3A_22] : memref<4x8xi32, #tpu.memory_space<vmem>> -> memref<1x8xi32, #tpu.memory_space<vmem>>
    %dma_start3A_24 = tpu.memref_squeeze %dma_start3A_23 : memref<1x8xi32, #tpu.memory_space<vmem>> -> memref<8xi32, #tpu.memory_space<vmem>>
    %dma_start3A_25 = arith.constant 0 : i32
    %dma_start3A_26 = arith.constant 0 : i32
    %dma_start3A_27 = tpu.memref_slice %arg4[%dma_start3A_25, %dma_start3A_26] : memref<1728x6912xi32, #tpu.memory_space<hbm>> -> memref<1728x6912xi32, #tpu.memory_space<hbm>>
    tpu.enqueue_indirect_dma source(%dma_start3A_27 : memref<1728x6912xi32, #tpu.memory_space<hbm>>) target(%dma_start3A_21 : memref<8x6912xi32, #tpu.memory_space<vmem>>) offsets(%dma_start3A_24 : memref<8xi32, #tpu.memory_space<vmem>>) semaphore(%arg13 : memref<!tpu.dma_semaphore, #tpu.memory_space<semaphore_mem>>)
    %dma_start3A_28 = arith.constant 1 : i32
    %dma_start3A_29 = arith.constant 1 : i32
    %dma_start3A_30 = arith.constant 0 : i32
    %dma_start3A_31 = arith.constant 0 : i32
    %dma_start3A_32 = tpu.memref_slice %arg10[%dma_start3A_29, %dma_start3A_30, %dma_start3A_31] : memref<2x8x6912xi32, #tpu.memory_space<vmem>> -> memref<1x8x6912xi32, #tpu.memory_space<vmem>>
    %dma_start3A_33 = tpu.memref_squeeze %dma_start3A_32 : memref<1x8x6912xi32, #tpu.memory_space<vmem>> -> memref<8x6912xi32, #tpu.memory_space<vmem>>
    %dma_start3A_34 = arith.constant 0 : i32
    %dma_start3A_35 = tpu.memref_slice %arg9[%dma_start3A_28, %dma_start3A_34] : memref<4x8xi32, #tpu.memory_space<vmem>> -> memref<1x8xi32, #tpu.memory_space<vmem>>
    %dma_start3A_36 = tpu.memref_squeeze %dma_start3A_35 : memref<1x8xi32, #tpu.memory_space<vmem>> -> memref<8xi32, #tpu.memory_space<vmem>>
    %dma_start3A_37 = arith.constant 0 : i32
    %dma_start3A_38 = arith.constant 0 : i32
    %dma_start3A_39 = tpu.memref_slice %arg4[%dma_start3A_37, %dma_start3A_38] : memref<1728x6912xi32, #tpu.memory_space<hbm>> -> memref<1728x6912xi32, #tpu.memory_space<hbm>>
    tpu.enqueue_indirect_dma source(%dma_start3A_39 : memref<1728x6912xi32, #tpu.memory_space<hbm>>) target(%dma_start3A_33 : memref<8x6912xi32, #tpu.memory_space<vmem>>) offsets(%dma_start3A_36 : memref<8xi32, #tpu.memory_space<vmem>>) semaphore(%arg13 : memref<!tpu.dma_semaphore, #tpu.memory_space<semaphore_mem>>)
    %dma_wait3A = arith.constant 0 : i32
    %dma_wait3A_40 = arith.constant 0 : i32
    %dma_wait3A_41 = arith.constant 0 : i32
    %dma_wait3A_42 = arith.constant 0 : i32
    %dma_wait3A_43 = tpu.memref_slice %arg10[%dma_wait3A_40, %dma_wait3A_41, %dma_wait3A_42] : memref<2x8x6912xi32, #tpu.memory_space<vmem>> -> memref<1x8x6912xi32, #tpu.memory_space<vmem>>
    %dma_wait3A_44 = tpu.memref_squeeze %dma_wait3A_43 : memref<1x8x6912xi32, #tpu.memory_space<vmem>> -> memref<8x6912xi32, #tpu.memory_space<vmem>>
    %dma_wait3A_45 = arith.constant 0 : i32
    %dma_wait3A_46 = tpu.memref_slice %arg9[%dma_wait3A, %dma_wait3A_45] : memref<4x8xi32, #tpu.memory_space<vmem>> -> memref<1x8xi32, #tpu.memory_space<vmem>>
    %dma_wait3A_47 = tpu.memref_squeeze %dma_wait3A_46 : memref<1x8xi32, #tpu.memory_space<vmem>> -> memref<8xi32, #tpu.memory_space<vmem>>
    %dma_wait3A_48 = arith.constant 0 : i32
    %dma_wait3A_49 = arith.constant 0 : i32
    %dma_wait3A_50 = tpu.memref_slice %arg4[%dma_wait3A_48, %dma_wait3A_49] : memref<1728x6912xi32, #tpu.memory_space<hbm>> -> memref<1728x6912xi32, #tpu.memory_space<hbm>>
    tpu.wait_indirect_dma semaphore(%arg13 : memref<!tpu.dma_semaphore, #tpu.memory_space<semaphore_mem>>) src(%dma_wait3A_50 : memref<1728x6912xi32, #tpu.memory_space<hbm>>) dst(%dma_wait3A_44 : memref<8x6912xi32, #tpu.memory_space<vmem>>)
    %add3A_51 = arith.constant 0 : i32
    %add3A_52 = arith.addi %mul3A_2, %add3A_51 : i32
    %run_scoped3A_53 = arith.constant 0 : i32
    "tpu.region"() ({
      %run_scoped3A_126 = tpu.sem_alloc : memref<!tpu.dma_semaphore, #tpu.memory_space<semaphore_mem>>
      %dma_start3A_127 = arith.constant 0 : i32
      %dma_start3A_128 = arith.constant 0 : i32
      %dma_start3A_129 = tpu.memref_slice %arg10[%run_scoped3A_53, %dma_start3A_127, %dma_start3A_128] : memref<2x8x6912xi32, #tpu.memory_space<vmem>> -> memref<1x8x6912xi32, #tpu.memory_space<vmem>>
      %dma_start3A_130 = tpu.memref_squeeze %dma_start3A_129 : memref<1x8x6912xi32, #tpu.memory_space<vmem>> -> memref<8x6912xi32, #tpu.memory_space<vmem>>
      %dma_start3A_131 = arith.constant 0 : i32
      %dma_start3A_132 = tpu.memref_slice %arg6[%add3A_52, %dma_start3A_131] : memref<1024x6912xi32, #tpu.memory_space<hbm>> -> memref<8x6912xi32, #tpu.memory_space<hbm>>
      %dma_start3A_133 = arith.constant 0 : i32
      %dma_start3A_134 = tpu.memref_slice %arg6[%add3A_52, %dma_start3A_133] : memref<1024x6912xi32, #tpu.memory_space<hbm>> -> memref<8x6912xi32, #tpu.memory_space<hbm>>
      %dma_start3A_135 = arith.constant 0 : i32
      %dma_start3A_136 = arith.constant 0 : i32
      %dma_start3A_137 = tpu.memref_slice %arg10[%run_scoped3A_53, %dma_start3A_135, %dma_start3A_136] : memref<2x8x6912xi32, #tpu.memory_space<vmem>> -> memref<1x8x6912xi32, #tpu.memory_space<vmem>>
      %dma_start3A_138 = tpu.memref_squeeze %dma_start3A_137 : memref<1x8x6912xi32, #tpu.memory_space<vmem>> -> memref<8x6912xi32, #tpu.memory_space<vmem>>
      tpu.enqueue_dma source(%dma_start3A_138 : memref<8x6912xi32, #tpu.memory_space<vmem>>) target(%dma_start3A_134 : memref<8x6912xi32, #tpu.memory_space<hbm>>) target_semaphore(%run_scoped3A_126 : memref<!tpu.dma_semaphore, #tpu.memory_space<semaphore_mem>>)
      %dma_wait3A_139 = arith.constant 0 : i32
      %dma_wait3A_140 = arith.constant 0 : i32
      %dma_wait3A_141 = tpu.memref_slice %arg10[%run_scoped3A_53, %dma_wait3A_139, %dma_wait3A_140] : memref<2x8x6912xi32, #tpu.memory_space<vmem>> -> memref<1x8x6912xi32, #tpu.memory_space<vmem>>
      %dma_wait3A_142 = tpu.memref_squeeze %dma_wait3A_141 : memref<1x8x6912xi32, #tpu.memory_space<vmem>> -> memref<8x6912xi32, #tpu.memory_space<vmem>>
      %dma_wait3A_143 = arith.constant 0 : i32
      %dma_wait3A_144 = tpu.memref_slice %arg6[%add3A_52, %dma_wait3A_143] : memref<1024x6912xi32, #tpu.memory_space<hbm>> -> memref<8x6912xi32, #tpu.memory_space<hbm>>
      %dma_wait3A_145 = arith.constant 0 : i32
      %dma_wait3A_146 = tpu.memref_slice %arg6[%add3A_52, %dma_wait3A_145] : memref<1024x6912xi32, #tpu.memory_space<hbm>> -> memref<8x6912xi32, #tpu.memory_space<hbm>>
      %dma_wait3A_147 = arith.constant 0 : i32
      %dma_wait3A_148 = arith.constant 0 : i32
      %dma_wait3A_149 = tpu.memref_slice %arg10[%run_scoped3A_53, %dma_wait3A_147, %dma_wait3A_148] : memref<2x8x6912xi32, #tpu.memory_space<vmem>> -> memref<1x8x6912xi32, #tpu.memory_space<vmem>>
      %dma_wait3A_150 = tpu.memref_squeeze %dma_wait3A_149 : memref<1x8x6912xi32, #tpu.memory_space<vmem>> -> memref<8x6912xi32, #tpu.memory_space<vmem>>
      tpu.wait_dma2 semaphore(%run_scoped3A_126 : memref<!tpu.dma_semaphore, #tpu.memory_space<semaphore_mem>>) src(%dma_wait3A_150 : memref<8x6912xi32, #tpu.memory_space<vmem>>) dst(%dma_wait3A_146 : memref<8x6912xi32, #tpu.memory_space<hbm>>)
      tpu.yield
    }) : () -> ()
    %dma_start3A_54 = arith.constant 2 : i32
    %dma_start3A_55 = arith.constant 0 : i32
    %dma_start3A_56 = arith.constant 0 : i32
    %dma_start3A_57 = arith.constant 0 : i32
    %dma_start3A_58 = tpu.memref_slice %arg10[%dma_start3A_55, %dma_start3A_56, %dma_start3A_57] : memref<2x8x6912xi32, #tpu.memory_space<vmem>> -> memref<1x8x6912xi32, #tpu.memory_space<vmem>>
    %dma_start3A_59 = tpu.memref_squeeze %dma_start3A_58 : memref<1x8x6912xi32, #tpu.memory_space<vmem>> -> memref<8x6912xi32, #tpu.memory_space<vmem>>
    %dma_start3A_60 = arith.constant 0 : i32
    %dma_start3A_61 = tpu.memref_slice %arg9[%dma_start3A_54, %dma_start3A_60] : memref<4x8xi32, #tpu.memory_space<vmem>> -> memref<1x8xi32, #tpu.memory_space<vmem>>
    %dma_start3A_62 = tpu.memref_squeeze %dma_start3A_61 : memref<1x8xi32, #tpu.memory_space<vmem>> -> memref<8xi32, #tpu.memory_space<vmem>>
    %dma_start3A_63 = arith.constant 0 : i32
    %dma_start3A_64 = arith.constant 0 : i32
    %dma_start3A_65 = tpu.memref_slice %arg4[%dma_start3A_63, %dma_start3A_64] : memref<1728x6912xi32, #tpu.memory_space<hbm>> -> memref<1728x6912xi32, #tpu.memory_space<hbm>>
    tpu.enqueue_indirect_dma source(%dma_start3A_65 : memref<1728x6912xi32, #tpu.memory_space<hbm>>) target(%dma_start3A_59 : memref<8x6912xi32, #tpu.memory_space<vmem>>) offsets(%dma_start3A_62 : memref<8xi32, #tpu.memory_space<vmem>>) semaphore(%arg13 : memref<!tpu.dma_semaphore, #tpu.memory_space<semaphore_mem>>)
    %dma_wait3A_66 = arith.constant 1 : i32
    %dma_wait3A_67 = arith.constant 1 : i32
    %dma_wait3A_68 = arith.constant 0 : i32
    %dma_wait3A_69 = arith.constant 0 : i32
    %dma_wait3A_70 = tpu.memref_slice %arg10[%dma_wait3A_67, %dma_wait3A_68, %dma_wait3A_69] : memref<2x8x6912xi32, #tpu.memory_space<vmem>> -> memref<1x8x6912xi32, #tpu.memory_space<vmem>>
    %dma_wait3A_71 = tpu.memref_squeeze %dma_wait3A_70 : memref<1x8x6912xi32, #tpu.memory_space<vmem>> -> memref<8x6912xi32, #tpu.memory_space<vmem>>
    %dma_wait3A_72 = arith.constant 0 : i32
    %dma_wait3A_73 = tpu.memref_slice %arg9[%dma_wait3A_66, %dma_wait3A_72] : memref<4x8xi32, #tpu.memory_space<vmem>> -> memref<1x8xi32, #tpu.memory_space<vmem>>
    %dma_wait3A_74 = tpu.memref_squeeze %dma_wait3A_73 : memref<1x8xi32, #tpu.memory_space<vmem>> -> memref<8xi32, #tpu.memory_space<vmem>>
    %dma_wait3A_75 = arith.constant 0 : i32
    %dma_wait3A_76 = arith.constant 0 : i32
    %dma_wait3A_77 = tpu.memref_slice %arg4[%dma_wait3A_75, %dma_wait3A_76] : memref<1728x6912xi32, #tpu.memory_space<hbm>> -> memref<1728x6912xi32, #tpu.memory_space<hbm>>
    tpu.wait_indirect_dma semaphore(%arg13 : memref<!tpu.dma_semaphore, #tpu.memory_space<semaphore_mem>>) src(%dma_wait3A_77 : memref<1728x6912xi32, #tpu.memory_space<hbm>>) dst(%dma_wait3A_71 : memref<8x6912xi32, #tpu.memory_space<vmem>>)
    %add3A_78 = arith.constant 8 : i32
    %add3A_79 = arith.addi %mul3A_2, %add3A_78 : i32
    %run_scoped3A_80 = arith.constant 1 : i32
    "tpu.region"() ({
      %run_scoped3A_126 = tpu.sem_alloc : memref<!tpu.dma_semaphore, #tpu.memory_space<semaphore_mem>>
      %dma_start3A_127 = arith.constant 0 : i32
      %dma_start3A_128 = arith.constant 0 : i32
      %dma_start3A_129 = tpu.memref_slice %arg10[%run_scoped3A_80, %dma_start3A_127, %dma_start3A_128] : memref<2x8x6912xi32, #tpu.memory_space<vmem>> -> memref<1x8x6912xi32, #tpu.memory_space<vmem>>
      %dma_start3A_130 = tpu.memref_squeeze %dma_start3A_129 : memref<1x8x6912xi32, #tpu.memory_space<vmem>> -> memref<8x6912xi32, #tpu.memory_space<vmem>>
      %dma_start3A_131 = arith.constant 0 : i32
      %dma_start3A_132 = tpu.memref_slice %arg6[%add3A_79, %dma_start3A_131] : memref<1024x6912xi32, #tpu.memory_space<hbm>> -> memref<8x6912xi32, #tpu.memory_space<hbm>>
      %dma_start3A_133 = arith.constant 0 : i32
      %dma_start3A_134 = tpu.memref_slice %arg6[%add3A_79, %dma_start3A_133] : memref<1024x6912xi32, #tpu.memory_space<hbm>> -> memref<8x6912xi32, #tpu.memory_space<hbm>>
      %dma_start3A_135 = arith.constant 0 : i32
      %dma_start3A_136 = arith.constant 0 : i32
      %dma_start3A_137 = tpu.memref_slice %arg10[%run_scoped3A_80, %dma_start3A_135, %dma_start3A_136] : memref<2x8x6912xi32, #tpu.memory_space<vmem>> -> memref<1x8x6912xi32, #tpu.memory_space<vmem>>
      %dma_start3A_138 = tpu.memref_squeeze %dma_start3A_137 : memref<1x8x6912xi32, #tpu.memory_space<vmem>> -> memref<8x6912xi32, #tpu.memory_space<vmem>>
      tpu.enqueue_dma source(%dma_start3A_138 : memref<8x6912xi32, #tpu.memory_space<vmem>>) target(%dma_start3A_134 : memref<8x6912xi32, #tpu.memory_space<hbm>>) target_semaphore(%run_scoped3A_126 : memref<!tpu.dma_semaphore, #tpu.memory_space<semaphore_mem>>)
      %dma_wait3A_139 = arith.constant 0 : i32
      %dma_wait3A_140 = arith.constant 0 : i32
      %dma_wait3A_141 = tpu.memref_slice %arg10[%run_scoped3A_80, %dma_wait3A_139, %dma_wait3A_140] : memref<2x8x6912xi32, #tpu.memory_space<vmem>> -> memref<1x8x6912xi32, #tpu.memory_space<vmem>>
      %dma_wait3A_142 = tpu.memref_squeeze %dma_wait3A_141 : memref<1x8x6912xi32, #tpu.memory_space<vmem>> -> memref<8x6912xi32, #tpu.memory_space<vmem>>
      %dma_wait3A_143 = arith.constant 0 : i32
      %dma_wait3A_144 = tpu.memref_slice %arg6[%add3A_79, %dma_wait3A_143] : memref<1024x6912xi32, #tpu.memory_space<hbm>> -> memref<8x6912xi32, #tpu.memory_space<hbm>>
      %dma_wait3A_145 = arith.constant 0 : i32
      %dma_wait3A_146 = tpu.memref_slice %arg6[%add3A_79, %dma_wait3A_145] : memref<1024x6912xi32, #tpu.memory_space<hbm>> -> memref<8x6912xi32, #tpu.memory_space<hbm>>
      %dma_wait3A_147 = arith.constant 0 : i32
      %dma_wait3A_148 = arith.constant 0 : i32
      %dma_wait3A_149 = tpu.memref_slice %arg10[%run_scoped3A_80, %dma_wait3A_147, %dma_wait3A_148] : memref<2x8x6912xi32, #tpu.memory_space<vmem>> -> memref<1x8x6912xi32, #tpu.memory_space<vmem>>
      %dma_wait3A_150 = tpu.memref_squeeze %dma_wait3A_149 : memref<1x8x6912xi32, #tpu.memory_space<vmem>> -> memref<8x6912xi32, #tpu.memory_space<vmem>>
      tpu.wait_dma2 semaphore(%run_scoped3A_126 : memref<!tpu.dma_semaphore, #tpu.memory_space<semaphore_mem>>) src(%dma_wait3A_150 : memref<8x6912xi32, #tpu.memory_space<vmem>>) dst(%dma_wait3A_146 : memref<8x6912xi32, #tpu.memory_space<hbm>>)
      tpu.yield
    }) : () -> ()
    %dma_start3A_81 = arith.constant 3 : i32
    %dma_start3A_82 = arith.constant 1 : i32
    %dma_start3A_83 = arith.constant 0 : i32
    %dma_start3A_84 = arith.constant 0 : i32
    %dma_start3A_85 = tpu.memref_slice %arg10[%dma_start3A_82, %dma_start3A_83, %dma_start3A_84] : memref<2x8x6912xi32, #tpu.memory_space<vmem>> -> memref<1x8x6912xi32, #tpu.memory_space<vmem>>
    %dma_start3A_86 = tpu.memref_squeeze %dma_start3A_85 : memref<1x8x6912xi32, #tpu.memory_space<vmem>> -> memref<8x6912xi32, #tpu.memory_space<vmem>>
    %dma_start3A_87 = arith.constant 0 : i32
    %dma_start3A_88 = tpu.memref_slice %arg9[%dma_start3A_81, %dma_start3A_87] : memref<4x8xi32, #tpu.memory_space<vmem>> -> memref<1x8xi32, #tpu.memory_space<vmem>>
    %dma_start3A_89 = tpu.memref_squeeze %dma_start3A_88 : memref<1x8xi32, #tpu.memory_space<vmem>> -> memref<8xi32, #tpu.memory_space<vmem>>
    %dma_start3A_90 = arith.constant 0 : i32
    %dma_start3A_91 = arith.constant 0 : i32
    %dma_start3A_92 = tpu.memref_slice %arg4[%dma_start3A_90, %dma_start3A_91] : memref<1728x6912xi32, #tpu.memory_space<hbm>> -> memref<1728x6912xi32, #tpu.memory_space<hbm>>
    tpu.enqueue_indirect_dma source(%dma_start3A_92 : memref<1728x6912xi32, #tpu.memory_space<hbm>>) target(%dma_start3A_86 : memref<8x6912xi32, #tpu.memory_space<vmem>>) offsets(%dma_start3A_89 : memref<8xi32, #tpu.memory_space<vmem>>) semaphore(%arg13 : memref<!tpu.dma_semaphore, #tpu.memory_space<semaphore_mem>>)
    %dma_wait3A_93 = arith.constant 2 : i32
    %dma_wait3A_94 = arith.constant 0 : i32
    %dma_wait3A_95 = arith.constant 0 : i32
    %dma_wait3A_96 = arith.constant 0 : i32
    %dma_wait3A_97 = tpu.memref_slice %arg10[%dma_wait3A_94, %dma_wait3A_95, %dma_wait3A_96] : memref<2x8x6912xi32, #tpu.memory_space<vmem>> -> memref<1x8x6912xi32, #tpu.memory_space<vmem>>
    %dma_wait3A_98 = tpu.memref_squeeze %dma_wait3A_97 : memref<1x8x6912xi32, #tpu.memory_space<vmem>> -> memref<8x6912xi32, #tpu.memory_space<vmem>>
    %dma_wait3A_99 = arith.constant 0 : i32
    %dma_wait3A_100 = tpu.memref_slice %arg9[%dma_wait3A_93, %dma_wait3A_99] : memref<4x8xi32, #tpu.memory_space<vmem>> -> memref<1x8xi32, #tpu.memory_space<vmem>>
    %dma_wait3A_101 = tpu.memref_squeeze %dma_wait3A_100 : memref<1x8xi32, #tpu.memory_space<vmem>> -> memref<8xi32, #tpu.memory_space<vmem>>
    %dma_wait3A_102 = arith.constant 0 : i32
    %dma_wait3A_103 = arith.constant 0 : i32
    %dma_wait3A_104 = tpu.memref_slice %arg4[%dma_wait3A_102, %dma_wait3A_103] : memref<1728x6912xi32, #tpu.memory_space<hbm>> -> memref<1728x6912xi32, #tpu.memory_space<hbm>>
    tpu.wait_indirect_dma semaphore(%arg13 : memref<!tpu.dma_semaphore, #tpu.memory_space<semaphore_mem>>) src(%dma_wait3A_104 : memref<1728x6912xi32, #tpu.memory_space<hbm>>) dst(%dma_wait3A_98 : memref<8x6912xi32, #tpu.memory_space<vmem>>)
    %add3A_105 = arith.constant 16 : i32
    %add3A_106 = arith.addi %mul3A_2, %add3A_105 : i32
    %run_scoped3A_107 = arith.constant 0 : i32
    "tpu.region"() ({
      %run_scoped3A_126 = tpu.sem_alloc : memref<!tpu.dma_semaphore, #tpu.memory_space<semaphore_mem>>
      %dma_start3A_127 = arith.constant 0 : i32
      %dma_start3A_128 = arith.constant 0 : i32
      %dma_start3A_129 = tpu.memref_slice %arg10[%run_scoped3A_107, %dma_start3A_127, %dma_start3A_128] : memref<2x8x6912xi32, #tpu.memory_space<vmem>> -> memref<1x8x6912xi32, #tpu.memory_space<vmem>>
      %dma_start3A_130 = tpu.memref_squeeze %dma_start3A_129 : memref<1x8x6912xi32, #tpu.memory_space<vmem>> -> memref<8x6912xi32, #tpu.memory_space<vmem>>
      %dma_start3A_131 = arith.constant 0 : i32
      %dma_start3A_132 = tpu.memref_slice %arg6[%add3A_106, %dma_start3A_131] : memref<1024x6912xi32, #tpu.memory_space<hbm>> -> memref<8x6912xi32, #tpu.memory_space<hbm>>
      %dma_start3A_133 = arith.constant 0 : i32
      %dma_start3A_134 = tpu.memref_slice %arg6[%add3A_106, %dma_start3A_133] : memref<1024x6912xi32, #tpu.memory_space<hbm>> -> memref<8x6912xi32, #tpu.memory_space<hbm>>
      %dma_start3A_135 = arith.constant 0 : i32
      %dma_start3A_136 = arith.constant 0 : i32
      %dma_start3A_137 = tpu.memref_slice %arg10[%run_scoped3A_107, %dma_start3A_135, %dma_start3A_136] : memref<2x8x6912xi32, #tpu.memory_space<vmem>> -> memref<1x8x6912xi32, #tpu.memory_space<vmem>>
      %dma_start3A_138 = tpu.memref_squeeze %dma_start3A_137 : memref<1x8x6912xi32, #tpu.memory_space<vmem>> -> memref<8x6912xi32, #tpu.memory_space<vmem>>
      tpu.enqueue_dma source(%dma_start3A_138 : memref<8x6912xi32, #tpu.memory_space<vmem>>) target(%dma_start3A_134 : memref<8x6912xi32, #tpu.memory_space<hbm>>) target_semaphore(%run_scoped3A_126 : memref<!tpu.dma_semaphore, #tpu.memory_space<semaphore_mem>>)
      %dma_wait3A_139 = arith.constant 0 : i32
      %dma_wait3A_140 = arith.constant 0 : i32
      %dma_wait3A_141 = tpu.memref_slice %arg10[%run_scoped3A_107, %dma_wait3A_139, %dma_wait3A_140] : memref<2x8x6912xi32, #tpu.memory_space<vmem>> -> memref<1x8x6912xi32, #tpu.memory_space<vmem>>
      %dma_wait3A_142 = tpu.memref_squeeze %dma_wait3A_141 : memref<1x8x6912xi32, #tpu.memory_space<vmem>> -> memref<8x6912xi32, #tpu.memory_space<vmem>>
      %dma_wait3A_143 = arith.constant 0 : i32
      %dma_wait3A_144 = tpu.memref_slice %arg6[%add3A_106, %dma_wait3A_143] : memref<1024x6912xi32, #tpu.memory_space<hbm>> -> memref<8x6912xi32, #tpu.memory_space<hbm>>
      %dma_wait3A_145 = arith.constant 0 : i32
      %dma_wait3A_146 = tpu.memref_slice %arg6[%add3A_106, %dma_wait3A_145] : memref<1024x6912xi32, #tpu.memory_space<hbm>> -> memref<8x6912xi32, #tpu.memory_space<hbm>>
      %dma_wait3A_147 = arith.constant 0 : i32
      %dma_wait3A_148 = arith.constant 0 : i32
      %dma_wait3A_149 = tpu.memref_slice %arg10[%run_scoped3A_107, %dma_wait3A_147, %dma_wait3A_148] : memref<2x8x6912xi32, #tpu.memory_space<vmem>> -> memref<1x8x6912xi32, #tpu.memory_space<vmem>>
      %dma_wait3A_150 = tpu.memref_squeeze %dma_wait3A_149 : memref<1x8x6912xi32, #tpu.memory_space<vmem>> -> memref<8x6912xi32, #tpu.memory_space<vmem>>
      tpu.wait_dma2 semaphore(%run_scoped3A_126 : memref<!tpu.dma_semaphore, #tpu.memory_space<semaphore_mem>>) src(%dma_wait3A_150 : memref<8x6912xi32, #tpu.memory_space<vmem>>) dst(%dma_wait3A_146 : memref<8x6912xi32, #tpu.memory_space<hbm>>)
      tpu.yield
    }) : () -> ()
    %dma_wait3A_108 = arith.constant 3 : i32
    %dma_wait3A_109 = arith.constant 1 : i32
    %dma_wait3A_110 = arith.constant 0 : i32
    %dma_wait3A_111 = arith.constant 0 : i32
    %dma_wait3A_112 = tpu.memref_slice %arg10[%dma_wait3A_109, %dma_wait3A_110, %dma_wait3A_111] : memref<2x8x6912xi32, #tpu.memory_space<vmem>> -> memref<1x8x6912xi32, #tpu.memory_space<vmem>>
    %dma_wait3A_113 = tpu.memref_squeeze %dma_wait3A_112 : memref<1x8x6912xi32, #tpu.memory_space<vmem>> -> memref<8x6912xi32, #tpu.memory_space<vmem>>
    %dma_wait3A_114 = arith.constant 0 : i32
    %dma_wait3A_115 = tpu.memref_slice %arg9[%dma_wait3A_108, %dma_wait3A_114] : memref<4x8xi32, #tpu.memory_space<vmem>> -> memref<1x8xi32, #tpu.memory_space<vmem>>
    %dma_wait3A_116 = tpu.memref_squeeze %dma_wait3A_115 : memref<1x8xi32, #tpu.memory_space<vmem>> -> memref<8xi32, #tpu.memory_space<vmem>>
    %dma_wait3A_117 = arith.constant 0 : i32
    %dma_wait3A_118 = arith.constant 0 : i32
    %dma_wait3A_119 = tpu.memref_slice %arg4[%dma_wait3A_117, %dma_wait3A_118] : memref<1728x6912xi32, #tpu.memory_space<hbm>> -> memref<1728x6912xi32, #tpu.memory_space<hbm>>
    tpu.wait_indirect_dma semaphore(%arg13 : memref<!tpu.dma_semaphore, #tpu.memory_space<semaphore_mem>>) src(%dma_wait3A_119 : memref<1728x6912xi32, #tpu.memory_space<hbm>>) dst(%dma_wait3A_113 : memref<8x6912xi32, #tpu.memory_space<vmem>>)
    %add3A_120 = arith.constant 24 : i32
    %add3A_121 = arith.addi %mul3A_2, %add3A_120 : i32
    %run_scoped3A_122 = arith.constant 1 : i32
    "tpu.region"() ({
      %run_scoped3A_126 = tpu.sem_alloc : memref<!tpu.dma_semaphore, #tpu.memory_space<semaphore_mem>>
      %dma_start3A_127 = arith.constant 0 : i32
      %dma_start3A_128 = arith.constant 0 : i32
      %dma_start3A_129 = tpu.memref_slice %arg10[%run_scoped3A_122, %dma_start3A_127, %dma_start3A_128] : memref<2x8x6912xi32, #tpu.memory_space<vmem>> -> memref<1x8x6912xi32, #tpu.memory_space<vmem>>
      %dma_start3A_130 = tpu.memref_squeeze %dma_start3A_129 : memref<1x8x6912xi32, #tpu.memory_space<vmem>> -> memref<8x6912xi32, #tpu.memory_space<vmem>>
      %dma_start3A_131 = arith.constant 0 : i32
      %dma_start3A_132 = tpu.memref_slice %arg6[%add3A_121, %dma_start3A_131] : memref<1024x6912xi32, #tpu.memory_space<hbm>> -> memref<8x6912xi32, #tpu.memory_space<hbm>>
      %dma_start3A_133 = arith.constant 0 : i32
      %dma_start3A_134 = tpu.memref_slice %arg6[%add3A_121, %dma_start3A_133] : memref<1024x6912xi32, #tpu.memory_space<hbm>> -> memref<8x6912xi32, #tpu.memory_space<hbm>>
      %dma_start3A_135 = arith.constant 0 : i32
      %dma_start3A_136 = arith.constant 0 : i32
      %dma_start3A_137 = tpu.memref_slice %arg10[%run_scoped3A_122, %dma_start3A_135, %dma_start3A_136] : memref<2x8x6912xi32, #tpu.memory_space<vmem>> -> memref<1x8x6912xi32, #tpu.memory_space<vmem>>
      %dma_start3A_138 = tpu.memref_squeeze %dma_start3A_137 : memref<1x8x6912xi32, #tpu.memory_space<vmem>> -> memref<8x6912xi32, #tpu.memory_space<vmem>>
      tpu.enqueue_dma source(%dma_start3A_138 : memref<8x6912xi32, #tpu.memory_space<vmem>>) target(%dma_start3A_134 : memref<8x6912xi32, #tpu.memory_space<hbm>>) target_semaphore(%run_scoped3A_126 : memref<!tpu.dma_semaphore, #tpu.memory_space<semaphore_mem>>)
      %dma_wait3A_139 = arith.constant 0 : i32
      %dma_wait3A_140 = arith.constant 0 : i32
      %dma_wait3A_141 = tpu.memref_slice %arg10[%run_scoped3A_122, %dma_wait3A_139, %dma_wait3A_140] : memref<2x8x6912xi32, #tpu.memory_space<vmem>> -> memref<1x8x6912xi32, #tpu.memory_space<vmem>>
      %dma_wait3A_142 = tpu.memref_squeeze %dma_wait3A_141 : memref<1x8x6912xi32, #tpu.memory_space<vmem>> -> memref<8x6912xi32, #tpu.memory_space<vmem>>
      %dma_wait3A_143 = arith.constant 0 : i32
      %dma_wait3A_144 = tpu.memref_slice %arg6[%add3A_121, %dma_wait3A_143] : memref<1024x6912xi32, #tpu.memory_space<hbm>> -> memref<8x6912xi32, #tpu.memory_space<hbm>>
      %dma_wait3A_145 = arith.constant 0 : i32
      %dma_wait3A_146 = tpu.memref_slice %arg6[%add3A_121, %dma_wait3A_145] : memref<1024x6912xi32, #tpu.memory_space<hbm>> -> memref<8x6912xi32, #tpu.memory_space<hbm>>
      %dma_wait3A_147 = arith.constant 0 : i32
      %dma_wait3A_148 = arith.constant 0 : i32
      %dma_wait3A_149 = tpu.memref_slice %arg10[%run_scoped3A_122, %dma_wait3A_147, %dma_wait3A_148] : memref<2x8x6912xi32, #tpu.memory_space<vmem>> -> memref<1x8x6912xi32, #tpu.memory_space<vmem>>
      %dma_wait3A_150 = tpu.memref_squeeze %dma_wait3A_149 : memref<1x8x6912xi32, #tpu.memory_space<vmem>> -> memref<8x6912xi32, #tpu.memory_space<vmem>>
      tpu.wait_dma2 semaphore(%run_scoped3A_126 : memref<!tpu.dma_semaphore, #tpu.memory_space<semaphore_mem>>) src(%dma_wait3A_150 : memref<8x6912xi32, #tpu.memory_space<vmem>>) dst(%dma_wait3A_146 : memref<8x6912xi32, #tpu.memory_space<hbm>>)
      tpu.yield
    }) : () -> ()
    %dma_wait3A_123 = arith.constant 0 : i32
    %dma_wait3A_124 = arith.constant 0 : i32
    %dma_wait3A_125 = tpu.memref_slice %arg5[%dma_wait3A_123, %dma_wait3A_124] : memref<6890x128xf32, #tpu.memory_space<hbm>> -> memref<6890x128xf32, #tpu.memory_space<hbm>>
    tpu.wait_indirect_dma semaphore(%arg12 : memref<!tpu.dma_semaphore, #tpu.memory_space<semaphore_mem>>) src(%dma_wait3A_125 : memref<6890x128xf32, #tpu.memory_space<hbm>>) dst(%arg11 : memref<32x128xf32, #tpu.memory_space<vmem>>)
    "tpu.region"() ({
      %run_scoped3A_126 = tpu.sem_alloc : memref<!tpu.dma_semaphore, #tpu.memory_space<semaphore_mem>>
      %dma_start3A_127 = arith.constant 0 : i32
      %dma_start3A_128 = tpu.memref_slice %arg7[%mul3A_2, %dma_start3A_127] : memref<1024x128xf32, #tpu.memory_space<hbm>> -> memref<32x128xf32, #tpu.memory_space<hbm>>
      %dma_start3A_129 = arith.constant 0 : i32
      %dma_start3A_130 = tpu.memref_slice %arg7[%mul3A_2, %dma_start3A_129] : memref<1024x128xf32, #tpu.memory_space<hbm>> -> memref<32x128xf32, #tpu.memory_space<hbm>>
      tpu.enqueue_dma source(%arg11 : memref<32x128xf32, #tpu.memory_space<vmem>>) target(%dma_start3A_130 : memref<32x128xf32, #tpu.memory_space<hbm>>) target_semaphore(%run_scoped3A_126 : memref<!tpu.dma_semaphore, #tpu.memory_space<semaphore_mem>>)
      %dma_wait3A_131 = arith.constant 0 : i32
      %dma_wait3A_132 = tpu.memref_slice %arg7[%mul3A_2, %dma_wait3A_131] : memref<1024x128xf32, #tpu.memory_space<hbm>> -> memref<32x128xf32, #tpu.memory_space<hbm>>
      %dma_wait3A_133 = arith.constant 0 : i32
      %dma_wait3A_134 = tpu.memref_slice %arg7[%mul3A_2, %dma_wait3A_133] : memref<1024x128xf32, #tpu.memory_space<hbm>> -> memref<32x128xf32, #tpu.memory_space<hbm>>
      tpu.wait_dma2 semaphore(%run_scoped3A_126 : memref<!tpu.dma_semaphore, #tpu.memory_space<semaphore_mem>>) src(%arg11 : memref<32x128xf32, #tpu.memory_space<vmem>>) dst(%dma_wait3A_134 : memref<32x128xf32, #tpu.memory_space<hbm>>)
      tpu.yield
    }) : () -> ()
    return
  }
}

module attributes {stable_mosaic.version = 14 : i64} {
  func.func @rp_fn(%arg0: i32, %arg1: memref<192x6890xi8, #tpu.memory_space<vmem>>, %arg2: memref<6890x3xf32, #tpu.memory_space<vmem>>, %arg3: memref<48x6912xi32, #tpu.memory_space<vmem>>, %arg4: memref<6890x128xf32, #tpu.memory_space<vmem>>) attributes {dimension_semantics = [#tpu.dimension_semantics<arbitrary>], iteration_bounds = array<i64: 36>, scalar_prefetch = 0 : i64, scratch_operands = 0 : i64, tpu.core_type = #tpu.core_type<tc>, window_params = [{transform_indices = @transform_0, window_bounds = array<i64: 192, 6890>}, {pipeline_mode = #tpu.pipeline_mode<synchronous>, transform_indices = @transform_1, window_bounds = array<i64: 6890, 3>}, {transform_indices = @transform_2, window_bounds = array<i64: 48, 6912>}, {pipeline_mode = #tpu.pipeline_mode<synchronous>, transform_indices = @transform_3, window_bounds = array<i64: 6890, 128>}]} {
    %get3A = arith.constant 0 : index
    %get3A_0 = arith.constant 0 : index
    %get3A_1 = vector.load %arg1[%get3A, %get3A_0] : memref<192x6890xi8, #tpu.memory_space<vmem>>, vector<192x6890xi8>
    %jit3A = arith.constant 0 : i32
    %convert_element_type3A = arith.trunci %jit3A : i32 to i8
    %pad3A = vector.broadcast %convert_element_type3A : i8 to vector<192x22xi8>
    %pad3A_2 = tpu.concatenate %get3A_1, %pad3A in 1 : vector<192x6890xi8>, vector<192x22xi8> -> vector<192x6912xi8>
    %bitcast3A = tpu.bitcast %pad3A_2 : vector<192x6912xi8> -> vector<48x6912xi32>
    %swap3A = arith.constant 0 : index
    %swap3A_3 = arith.constant 0 : index
    %swap3A_4 = vector.load %arg3[%swap3A, %swap3A_3] : memref<48x6912xi32, #tpu.memory_space<vmem>>, vector<48x6912xi32>
    tpu.vector_store %arg3[%swap3A, %swap3A_3], %bitcast3A {strides = array<i32>} : memref<48x6912xi32, #tpu.memory_space<vmem>>, vector<48x6912xi32>,
    %eq3A = arith.constant 0 : i32
    %eq3A_5 = arith.cmpi eq, %arg0, %eq3A : i32
    %convert_element_type3A_6 = arith.extui %eq3A_5 : i1 to i32
    %cond3A = arith.constant 0 : i32
    %cond3A_7 = arith.cmpi ne, %convert_element_type3A_6, %cond3A : i32
    scf.if %cond3A_7 {
      %get3A_8 = arith.constant 0 : index
      %get3A_9 = arith.constant 0 : index
      %get3A_10 = vector.load %arg2[%get3A_8, %get3A_9] : memref<6890x3xf32, #tpu.memory_space<vmem>>, vector<6890x3xf32>
      %jit3A_11 = arith.constant 0 : i32
      %convert_element_type3A_12 = arith.sitofp %jit3A_11 : i32 to f32
      %pad3A_13 = vector.broadcast %convert_element_type3A_12 : f32 to vector<6890x125xf32>
      %pad3A_14 = tpu.concatenate %get3A_10, %pad3A_13 in 1 : vector<6890x3xf32>, vector<6890x125xf32> -> vector<6890x128xf32>
      %swap3A_15 = arith.constant 0 : index
      %swap3A_16 = arith.constant 0 : index
      %swap3A_17 = vector.load %arg4[%swap3A_15, %swap3A_16] : memref<6890x128xf32, #tpu.memory_space<vmem>>, vector<6890x128xf32>
      tpu.vector_store %arg4[%swap3A_15, %swap3A_16], %pad3A_14 {strides = array<i32>} : memref<6890x128xf32, #tpu.memory_space<vmem>>, vector<6890x128xf32>,
    } else {
    }
    return
  }
  func.func @transform_0(%arg0: i32) -> (i32, i32) {
    %c0_i32 = arith.constant 0 : i32
    %c0_i32_0 = arith.constant 0 : i32
    return %arg0, %c0_i32 : i32, i32
  }
  func.func @transform_1(%arg0: i32) -> (i32, i32) {
    %c0_i32 = arith.constant 0 : i32
    %c0_i32_0 = arith.constant 0 : i32
    %c0_i32_1 = arith.constant 0 : i32
    return %c0_i32, %c0_i32_0 : i32, i32
  }
  func.func @transform_2(%arg0: i32) -> (i32, i32) {
    %c0_i32 = arith.constant 0 : i32
    %c0_i32_0 = arith.constant 0 : i32
    return %arg0, %c0_i32 : i32, i32
  }
  func.func @transform_3(%arg0: i32) -> (i32, i32) {
    %c0_i32 = arith.constant 0 : i32
    %c0_i32_0 = arith.constant 0 : i32
    %c0_i32_1 = arith.constant 0 : i32
    return %c0_i32, %c0_i32_0 : i32, i32
  }
}

module attributes {stable_mosaic.version = 14 : i64} {
  func.func @tc_fn(%arg0: i32, %arg1: memref<1x1024xi32, #tpu.memory_space<vmem>>, %arg2: memref<1024x1xi32, #tpu.memory_space<vmem>>, %arg3: memref<1024x128xf32, #tpu.memory_space<vmem>>, %arg4: memref<1024x2304xi32, #tpu.memory_space<vmem>>, %arg5: memref<1x1xf32, #tpu.memory_space<smem>>, %arg6: memref<1024x1024xf32, #tpu.memory_space<vmem>>) attributes {dimension_semantics = [#tpu.dimension_semantics<arbitrary>], iteration_bounds = array<i64: 3>, scalar_prefetch = 0 : i64, scratch_operands = 1 : i64, tpu.core_type = #tpu.core_type<tc>, window_params = [{pipeline_mode = #tpu.pipeline_mode<synchronous>, transform_indices = @transform_0, window_bounds = array<i64: 1, 1024>}, {pipeline_mode = #tpu.pipeline_mode<synchronous>, transform_indices = @transform_1, window_bounds = array<i64: 1024, 1>}, {pipeline_mode = #tpu.pipeline_mode<synchronous>, transform_indices = @transform_2, window_bounds = array<i64: 1024, 128>}, {transform_indices = @transform_3, window_bounds = array<i64: 1024, 2304>}, {transform_indices = @transform_4, window_bounds = array<i64: 1, 1>}]} {
    %eq3A = arith.constant 0 : i32
    %eq3A_0 = arith.cmpi eq, %arg0, %eq3A : i32
    %convert_element_type3A = arith.extui %eq3A_0 : i1 to i32
    %cond3A = arith.constant 0 : i32
    %cond3A_1 = arith.cmpi ne, %convert_element_type3A, %cond3A : i32
    scf.if %cond3A_1 {
      %broadcast_in_dim3A = arith.constant 0.000000e+00 : f32
      %broadcast_in_dim3A_33 = vector.broadcast %broadcast_in_dim3A : f32 to vector<1024x1024xf32>
      %swap3A_34 = arith.constant 0 : index
      %swap3A_35 = arith.constant 0 : index
      %swap3A_36 = vector.load %arg6[%swap3A_34, %swap3A_35] : memref<1024x1024xf32, #tpu.memory_space<vmem>>, vector<1024x1024xf32>
      tpu.vector_store %arg6[%swap3A_34, %swap3A_35], %broadcast_in_dim3A_33 {strides = array<i32>} : memref<1024x1024xf32, #tpu.memory_space<vmem>>, vector<1024x1024xf32>,
    } else {
    }
    %get3A = arith.constant 0 : index
    %get3A_2 = arith.constant 0 : index
    %get3A_3 = vector.load %arg4[%get3A, %get3A_2] : memref<1024x2304xi32, #tpu.memory_space<vmem>>, vector<1024x2304xi32>
    %get3A_4 = arith.constant 0 : index
    %get3A_5 = arith.constant 0 : index
    %get3A_6 = vector.load %arg2[%get3A_4, %get3A_5] : memref<1024x1xi32, #tpu.memory_space<vmem>>, vector<1024x1xi32>
    %shift_right_arithmetic3A = vector.broadcast %get3A_6 : vector<1024x1xi32> to vector<1024x2304xi32>
    %shift_right_arithmetic3A_7 = arith.shrsi %get3A_3, %shift_right_arithmetic3A : vector<1024x2304xi32>
    %and3A = arith.constant 1 : i32
    %and3A_8 = vector.broadcast %and3A : i32 to vector<1024x2304xi32>
    %and3A_9 = arith.andi %shift_right_arithmetic3A_7, %and3A_8 : vector<1024x2304xi32>
    %iota3A = tpu.iota {dimensions = array<i32: 0>} : vector<2304x1024xi32>
    %mul3A = arith.constant 2304 : i32
    %mul3A_10 = arith.muli %arg0, %mul3A : i32
    %add3A = vector.broadcast %mul3A_10 : i32 to vector<2304x1024xi32>
    %add3A_11 = arith.addi %iota3A, %add3A : vector<2304x1024xi32>
    %get3A_12 = arith.constant 0 : index
    %get3A_13 = arith.constant 0 : index
    %get3A_14 = vector.load %arg1[%get3A_12, %get3A_13] : memref<1x1024xi32, #tpu.memory_space<vmem>>, vector<1x1024xi32>
    %eq3A_15 = vector.broadcast %get3A_14 : vector<1x1024xi32> to vector<2304x1024xi32>
    %eq3A_16 = arith.cmpi eq, %add3A_11, %eq3A_15 : vector<2304x1024xi32>
    %convert_element_type3A_17 = arith.extui %eq3A_16 : vector<2304x1024xi1> to vector<2304x1024xi32>
    %convert_element_type3A_18 = arith.sitofp %convert_element_type3A_17 : vector<2304x1024xi32> to vector<2304x1024xf32>
    %convert_element_type3A_19 = arith.truncf %convert_element_type3A_18 : vector<2304x1024xf32> to vector<2304x1024xbf16>
    %get3A_20 = arith.constant 0 : index
    %get3A_21 = arith.constant 0 : index
    %get3A_22 = vector.load %arg6[%get3A_20, %get3A_21] : memref<1024x1024xf32, #tpu.memory_space<vmem>>, vector<1024x1024xf32>
    %convert_element_type3A_23 = arith.sitofp %and3A_9 : vector<1024x2304xi32> to vector<1024x2304xbf16>
    %dot_general3A = arith.constant dense<0.000000e+00> : vector<1024x1024xf32>
    %dot_general3A_24 = tpu.matmul %convert_element_type3A_23, %convert_element_type3A_19, %dot_general3A {dimension_numbers = #tpu.dot_dimension_numbers<[1], [0], [0], [1], [0, 0, 1, 1], [], []>, transpose_lhs_hint = false} : vector<1024x2304xbf16>, vector<2304x1024xbf16>, vector<1024x1024xf32> -> vector<1024x1024xf32>
    %add3A_25 = arith.addf %get3A_22, %dot_general3A_24 : vector<1024x1024xf32>
    %swap3A = arith.constant 0 : index
    %swap3A_26 = arith.constant 0 : index
    %swap3A_27 = vector.load %arg6[%swap3A, %swap3A_26] : memref<1024x1024xf32, #tpu.memory_space<vmem>>, vector<1024x1024xf32>
    tpu.vector_store %arg6[%swap3A, %swap3A_26], %add3A_25 {strides = array<i32>} : memref<1024x1024xf32, #tpu.memory_space<vmem>>, vector<1024x1024xf32>,
    %eq3A_28 = arith.constant 2 : i32
    %eq3A_29 = arith.cmpi eq, %arg0, %eq3A_28 : i32
    %convert_element_type3A_30 = arith.extui %eq3A_29 : i1 to i32
    %cond3A_31 = arith.constant 0 : i32
    %cond3A_32 = arith.cmpi ne, %convert_element_type3A_30, %cond3A_31 : i32
    scf.if %cond3A_32 {
      %get3A_33 = arith.constant 0 : index
      %get3A_34 = arith.constant 0 : index
      %get3A_35 = vector.load %arg3[%get3A_33, %get3A_34] : memref<1024x128xf32, #tpu.memory_space<vmem>>, vector<1024x128xf32>
      %broadcast_in_dim3A = arith.constant 0.000000e+00 : f32
      %broadcast_in_dim3A_36 = vector.broadcast %broadcast_in_dim3A : f32 to vector<1024x1024xf32>
      %slice3A = vector.extract_strided_slice %get3A_35 {offsets = [0, 0], sizes = [1024, 1], strides = [1, 1]} : vector<1024x128xf32> to vector<1024x1xf32>
      %iota3A_37 = tpu.iota {dimensions = array<i32: 1>} : vector<1x128xi32>
      %eq3A_38 = arith.constant 0 : i32
      %eq3A_39 = vector.broadcast %eq3A_38 : i32 to vector<1x128xi32>
      %eq3A_40 = arith.cmpi eq, %iota3A_37, %eq3A_39 : vector<1x128xi32>
      %convert_element_type3A_41 = arith.extui %eq3A_40 : vector<1x128xi1> to vector<1x128xi32>
      %convert_element_type3A_42 = arith.sitofp %convert_element_type3A_41 : vector<1x128xi32> to vector<1x128xf32>
      %dot_general3A_43 = arith.constant dense<0.000000e+00> : vector<1x1024xf32>
      %dot_general3A_44 = tpu.matmul %convert_element_type3A_42, %get3A_35, %dot_general3A_43 {dimension_numbers = #tpu.dot_dimension_numbers<[1], [1], [0], [0], [0, 0, 1, 0], [], []>, transpose_lhs_hint = false} : vector<1x128xf32>, vector<1024x128xf32>, vector<1x1024xf32> -> vector<1x1024xf32>
      %sub3A = vector.broadcast %slice3A : vector<1024x1xf32> to vector<1024x1024xf32>
      %sub3A_45 = vector.broadcast %dot_general3A_44 : vector<1x1024xf32> to vector<1024x1024xf32>
      %sub3A_46 = arith.subf %sub3A, %sub3A_45 : vector<1024x1024xf32>
      %mul3A_47 = arith.mulf %sub3A_46, %sub3A_46 : vector<1024x1024xf32>
      %add3A_48 = arith.addf %broadcast_in_dim3A_36, %mul3A_47 : vector<1024x1024xf32>
      %slice3A_49 = vector.extract_strided_slice %get3A_35 {offsets = [0, 1], sizes = [1024, 1], strides = [1, 1]} : vector<1024x128xf32> to vector<1024x1xf32>
      %iota3A_50 = tpu.iota {dimensions = array<i32: 1>} : vector<1x128xi32>
      %eq3A_51 = arith.constant 1 : i32
      %eq3A_52 = vector.broadcast %eq3A_51 : i32 to vector<1x128xi32>
      %eq3A_53 = arith.cmpi eq, %iota3A_50, %eq3A_52 : vector<1x128xi32>
      %convert_element_type3A_54 = arith.extui %eq3A_53 : vector<1x128xi1> to vector<1x128xi32>
      %convert_element_type3A_55 = arith.sitofp %convert_element_type3A_54 : vector<1x128xi32> to vector<1x128xf32>
      %dot_general3A_56 = arith.constant dense<0.000000e+00> : vector<1x1024xf32>
      %dot_general3A_57 = tpu.matmul %convert_element_type3A_55, %get3A_35, %dot_general3A_56 {dimension_numbers = #tpu.dot_dimension_numbers<[1], [1], [0], [0], [0, 0, 1, 0], [], []>, transpose_lhs_hint = false} : vector<1x128xf32>, vector<1024x128xf32>, vector<1x1024xf32> -> vector<1x1024xf32>
      %sub3A_58 = vector.broadcast %slice3A_49 : vector<1024x1xf32> to vector<1024x1024xf32>
      %sub3A_59 = vector.broadcast %dot_general3A_57 : vector<1x1024xf32> to vector<1024x1024xf32>
      %sub3A_60 = arith.subf %sub3A_58, %sub3A_59 : vector<1024x1024xf32>
      %mul3A_61 = arith.mulf %sub3A_60, %sub3A_60 : vector<1024x1024xf32>
      %add3A_62 = arith.addf %add3A_48, %mul3A_61 : vector<1024x1024xf32>
      %slice3A_63 = vector.extract_strided_slice %get3A_35 {offsets = [0, 2], sizes = [1024, 1], strides = [1, 1]} : vector<1024x128xf32> to vector<1024x1xf32>
      %iota3A_64 = tpu.iota {dimensions = array<i32: 1>} : vector<1x128xi32>
      %eq3A_65 = arith.constant 2 : i32
      %eq3A_66 = vector.broadcast %eq3A_65 : i32 to vector<1x128xi32>
      %eq3A_67 = arith.cmpi eq, %iota3A_64, %eq3A_66 : vector<1x128xi32>
      %convert_element_type3A_68 = arith.extui %eq3A_67 : vector<1x128xi1> to vector<1x128xi32>
      %convert_element_type3A_69 = arith.sitofp %convert_element_type3A_68 : vector<1x128xi32> to vector<1x128xf32>
      %dot_general3A_70 = arith.constant dense<0.000000e+00> : vector<1x1024xf32>
      %dot_general3A_71 = tpu.matmul %convert_element_type3A_69, %get3A_35, %dot_general3A_70 {dimension_numbers = #tpu.dot_dimension_numbers<[1], [1], [0], [0], [0, 0, 1, 0], [], []>, transpose_lhs_hint = false} : vector<1x128xf32>, vector<1024x128xf32>, vector<1x1024xf32> -> vector<1x1024xf32>
      %sub3A_72 = vector.broadcast %slice3A_63 : vector<1024x1xf32> to vector<1024x1024xf32>
      %sub3A_73 = vector.broadcast %dot_general3A_71 : vector<1x1024xf32> to vector<1024x1024xf32>
      %sub3A_74 = arith.subf %sub3A_72, %sub3A_73 : vector<1024x1024xf32>
      %mul3A_75 = arith.mulf %sub3A_74, %sub3A_74 : vector<1024x1024xf32>
      %add3A_76 = arith.addf %add3A_62, %mul3A_75 : vector<1024x1024xf32>
      %get3A_77 = arith.constant 0 : index
      %get3A_78 = arith.constant 0 : index
      %get3A_79 = vector.load %arg6[%get3A_77, %get3A_78] : memref<1024x1024xf32, #tpu.memory_space<vmem>>, vector<1024x1024xf32>
      %gt3A = arith.constant 5.000000e-01 : f32
      %gt3A_80 = vector.broadcast %gt3A : f32 to vector<1024x1024xf32>
      %gt3A_81 = arith.cmpf ogt, %get3A_79, %gt3A_80 : vector<1024x1024xf32>
      %jit3A = arith.constant 3.000000e+37 : f32
      %broadcast_in_dim3A_82 = vector.broadcast %jit3A : f32 to vector<1024x1024xf32>
      %select_n3A = arith.select %gt3A_81, %add3A_76, %broadcast_in_dim3A_82 : vector<1024x1024xi1>, vector<1024x1024xf32>
      %reduce_min3A = arith.constant dense<0x7F800000> : vector<1024xf32>
      %reduce_min3A_83 = vector.multi_reduction <minimumf>, %select_n3A, %reduce_min3A [1] : vector<1024x1024xf32> to vector<1024xf32>
      %broadcast_in_dim3A_84 = vector.shape_cast %reduce_min3A_83 : vector<1024xf32> to vector<1024x1xf32>
      %mul3A_85 = arith.constant 3.000000e+37 : f32
      %mul3A_86 = arith.constant 5.000000e-01 : f32
      %mul3A_87 = arith.mulf %mul3A_85, %mul3A_86 : f32
      %ge3A = vector.broadcast %mul3A_87 : f32 to vector<1024x1xf32>
      %ge3A_88 = arith.cmpf oge, %broadcast_in_dim3A_84, %ge3A : vector<1024x1xf32>
      %slice3A_89 = vector.extract_strided_slice %add3A_76 {offsets = [0, 0], sizes = [1024, 1], strides = [1, 1]} : vector<1024x1024xf32> to vector<1024x1xf32>
      %select_n3A_90 = arith.select %ge3A_88, %slice3A_89, %broadcast_in_dim3A_84 : vector<1024x1xi1>, vector<1024x1xf32>
      %sqrt3A = math.sqrt %select_n3A_90 : vector<1024x1xf32>
      %tanh3A = math.tanh %sqrt3A : vector<1024x1xf32>
      %reduce_sum3A = vector.shape_cast %tanh3A : vector<1024x1xf32> to vector<1x1024x1xf32>
      %reduce_sum3A_91 = arith.constant dense<0.000000e+00> : vector<1xf32>
      %reduce_sum3A_92 = vector.multi_reduction <add>, %reduce_sum3A, %reduce_sum3A_91 [1, 2] : vector<1x1024x1xf32> to vector<1xf32>
      %reduce_sum3A_93 = vector.shape_cast %reduce_sum3A_92 : vector<1xf32> to vector<1x1x1xf32>
      %reduce_sum3A_94 = vector.extract %reduce_sum3A_93[0, 0, 0] : f32 from vector<1x1x1xf32>
      %div3A = arith.constant 1.024000e+03 : f32
      %div3A_95 = arith.divf %reduce_sum3A_94, %div3A : f32
      %swap3A_96 = arith.constant 0 : index
      %swap3A_97 = arith.constant 0 : index
      %swap3A_98 = memref.load %arg5[%swap3A_96, %swap3A_97] : memref<1x1xf32, #tpu.memory_space<smem>>
      memref.store %div3A_95, %arg5[%swap3A_96, %swap3A_97] : memref<1x1xf32, #tpu.memory_space<smem>>
    } else {
    }
    return
  }
  func.func @transform_0(%arg0: i32) -> (i32, i32) {
    %c0_i32 = arith.constant 0 : i32
    %c0_i32_0 = arith.constant 0 : i32
    %c0_i32_1 = arith.constant 0 : i32
    return %c0_i32, %c0_i32_0 : i32, i32
  }
  func.func @transform_1(%arg0: i32) -> (i32, i32) {
    %c0_i32 = arith.constant 0 : i32
    %c0_i32_0 = arith.constant 0 : i32
    %c0_i32_1 = arith.constant 0 : i32
    return %c0_i32, %c0_i32_0 : i32, i32
  }
  func.func @transform_2(%arg0: i32) -> (i32, i32) {
    %c0_i32 = arith.constant 0 : i32
    %c0_i32_0 = arith.constant 0 : i32
    %c0_i32_1 = arith.constant 0 : i32
    return %c0_i32, %c0_i32_0 : i32, i32
  }
  func.func @transform_3(%arg0: i32) -> (i32, i32) {
    %c0_i32 = arith.constant 0 : i32
    %c0_i32_0 = arith.constant 0 : i32
    return %c0_i32, %arg0 : i32, i32
  }
  func.func @transform_4(%arg0: i32) -> (i32, i32) {
    %c0_i32 = arith.constant 0 : i32
    %c0_i32_0 = arith.constant 0 : i32
    %c0_i32_1 = arith.constant 0 : i32
    return %c0_i32, %c0_i32_0 : i32, i32
  }
}

</mosaic_0001>

<sc_bundles>
// kernel: kernel.5.cloned.1.call-start
scs
__scs_entry_jumppad:
0x0: {  	(pc) =	sbr.rel $0x88, $3  }
0x1: {  	(tag) =	ssettag $0x0;
	lr =	simm.s32 $0x1  }
0x2: {  	[smem:$0x3F9E] =	sst lr;
	_ =	strace $0xD0000000  }
0x3: {  	_ = 	snop  }
0x4: {  	_ = 	snop  }
0x5: {  	_ = 	snop  }
0x6: {  	_ = 	snop  }
0x7: {  	_ = 	snop  }
__scs_overlays_trampoline_lowered:
0x8: {  	[smem:$0x3FAD] =	sst s0  }
0x9: {  	[smem:$0x3FAE] =	sst s1  }
0xa: {  	[smem:$0x3FAF] =	sst s2  }
0xb: {  	[smem:$0x3FB0] =	sst s3  }
0xc: {  	[smem:$0x3FB1] =	sst s4  }
0xd: {  	[smem:$0x3FB2] =	sst s5  }
0xe: {  	[smem:$0x3FB3] =	sst s6  }
0xf: {  	[smem:$0x3FB4] =	sst s7  }
0x10: {  	[smem:$0x3FB5] =	sst s8  }
0x11: {  	[smem:$0x3FB6] =	sst s9;
	s0 =	simm.s32 @!p0 $0x0  }
0x12: {  	s1 =	sld [smem:$0x3F9C];
	s0 =	simm.s32 @p0 $0x1  }
0x13: {  	[smem:$0x3FB7] =	sst s0;
	s0 =	simm.s32 @!p1 $0x0  }
0x14: {  	s2 =	sld [smem:$0x3F9B];
	s0 =	simm.s32 @p1 $0x1  }
0x15: {  	[smem:$0x3FB8] =	sst s0;
	s0 =	simm.s32 @!p2 $0x0  }
0x16: {  	s3 =	sld [smem:$0x3FDB];
	s0 =	simm.s32 @p2 $0x1  }
0x17: {  	s4 =	simm.s32 $0x1BF5;
	[smem:$0x3FBA] =	sst s0  }
0x18: {  	s0 =	sld [smem:$0x3F9D];
	_ =	swait.ge [sflag:s4], $0x0  }
0x19: {  	s7 =	sld [smem:$0x3F9E]  }
0x1a: {  	s8 =	sadd.s32 $0xFFFFE003, lr  }
0x1b: {  	s9 =	sadd.s32 $0xFFFFFEF7, lr;
	s5 =	simm.s32 $0xFFFFFFFF;
	p2 =	slt.u32 s8, $0xFFFFF086  }
0x1c: {  	p1 =	slt.u32 s9, $0xF7A;
	s5 =	simm.s32 @!p2 $0x0  }
0x1d: {  	s5 =	simm.s32 @p1 $0x1;
	p0 =	seq.s32 s7, s2  }
0x1e: {  	s7 =	smul.u32 @!p0 $0xF7A, s2;
	p2 =	seq.s32 @!p0 s5, $0x0  }
0x1f: {  	s9 =	smul.u32 $0xF7A, s1;
	s8 =	simm.s32 @!p0 $0x1BF5;
	p2 =	por !p2, p0  }
0x20: {  	[sflag:s8] =	ssyncset.s32 @!p0 $0xFFFFF086;
	s6 =	sadd.s32 @!p0 s3, s7;
	s7 =	simm.s32 @!p0 $0x108  }
0x21: {  	s3 =	sadd.s32 s3, s9;
	s6 =	sadd.s32 @!p0 $0x88, s6;
	s7 =	simm.s32 @p2 $0x1082  }
0x22: {  	[simem:s7], [sflag:s8] =	dma.local @!p0 [hbm:s6], $0xF7A  }
0x23: {  	s9 =	sor.u32 $0xD0000000, s2;
	s6 =	simm.s32 $0x108;
	_ =	swait.ge @!p0 [sflag:s8], $0x0  }
0x24: {  	s3 =	sadd.s32 $0x88, s3;
	s6 =	simm.s32 @!p1 $0x1082;
	[sflag:s4] =	ssyncset.s32 $0xFFFFF086  }
0x25: {  	[simem:s6], [sflag:s4] =	dma.local [hbm:s3], $0xF7A  }
0x26: {  	[smem:$0x3F9E] =	sst s1;
	(tag) =	ssettag s2;
	_ =	strace s9  }
0x27: {  	s1 =	sld [smem:$0x3FAE]  }
0x28: {  	s2 =	sld [smem:$0x3FAF]  }
0x29: {  	s4 =	sld [smem:$0x3FB1]  }
0x2a: {  	p0 =	seq.s32 s5, $0x0;
	s5 =	sld [smem:$0x3FB2]  }
0x2b: {  	s6 =	sld [smem:$0x3FB3]  }
0x2c: {  	s7 =	sld [smem:$0x3FB4]  }
0x2d: {  	s3 =	simm.s32 $0x108;
	s8 =	sld [smem:$0x3FB5]  }
0x2e: {  	s3 =	simm.s32 @!p0 $0x1082;
	s9 =	sld [smem:$0x3FB6]  }
0x2f: {  	lr =	sadd.s32 s0, s3;
	s0 =	sld [smem:$0x3FAD]  }
0x30: {  	s3 =	sld [smem:$0x3FB0]  }
0x31: {  	[smem:$0x3FB9] =	sst s10  }
0x32: {  	s10 =	sld [smem:$0x3FB7];
	_ =	sdelay $0x3  }
0x33: {  	p0 =	seq.s32 s10, $0x1;
	s10 =	sld [smem:$0x3FB9];
	_ =	sdelay $0x3  }
0x34: {  	[smem:$0x3FB9] =	sst s10  }
0x35: {  	s10 =	sld [smem:$0x3FB8];
	_ =	sdelay $0x3  }
0x36: {  	p1 =	seq.s32 s10, $0x1;
	s10 =	sld [smem:$0x3FB9];
	_ =	sdelay $0x3  }
0x37: {  	[smem:$0x3FB9] =	sst s10  }
0x38: {  	s10 =	sld [smem:$0x3FBA]  }
0x39: {  	_ = 	snop;
	(pc) =	sbr.ind lr, $3  }
0x3a: {  	_ = 	snop  }
0x3b: {  	_ = 	snop  }
0x3c: {  	p2 =	seq.s32 s10, $0x1;
	s10 =	sld [smem:$0x3FB9]  }
0x3d: {  	_ =	shalt  }
0x3e: {  	_ =	shalt  }
0x3f: {  	_ =	shalt  }
0x40: {  	_ =	shalt  }
0x41: {  	_ =	shalt  }
0x42: {  	_ =	shalt  }
0x43: {  	_ =	shalt  }
0x44: {  	_ =	shalt  }
0x45: {  	_ =	shalt  }
0x46: {  	_ =	shalt  }
0x47: {  	_ =	shalt  }
0x48: {  	_ =	shalt  }
0x49: {  	_ =	shalt  }
0x4a: {  	_ =	shalt  }
0x4b: {  	_ =	shalt  }
0x4c: {  	_ =	shalt  }
0x4d: {  	_ =	shalt  }
0x4e: {  	_ =	shalt  }
0x4f: {  	_ =	shalt  }
0x50: {  	_ =	shalt  }
0x51: {  	_ =	shalt  }
0x52: {  	_ =	shalt  }
0x53: {  	_ =	shalt  }
0x54: {  	_ =	shalt  }
0x55: {  	_ =	shalt  }
0x56: {  	_ =	shalt  }
0x57: {  	_ =	shalt  }
0x58: {  	_ =	shalt  }
0x59: {  	_ =	shalt  }
0x5a: {  	_ =	shalt  }
0x5b: {  	_ =	shalt  }
0x5c: {  	_ =	shalt  }
0x5d: {  	_ =	shalt  }
0x5e: {  	_ =	shalt  }
0x5f: {  	_ =	shalt  }
0x60: {  	_ =	shalt  }
0x61: {  	_ =	shalt  }
0x62: {  	_ =	shalt  }
0x63: {  	_ =	shalt  }
0x64: {  	_ =	shalt  }
0x65: {  	_ =	shalt  }
0x66: {  	_ =	shalt  }
0x67: {  	_ =	shalt  }
0x68: {  	_ =	shalt  }
0x69: {  	_ =	shalt  }
0x6a: {  	_ =	shalt  }
0x6b: {  	_ =	shalt  }
0x6c: {  	_ =	shalt  }
0x6d: {  	_ =	shalt  }
0x6e: {  	_ =	shalt  }
0x6f: {  	_ =	shalt  }
0x70: {  	_ =	shalt  }
0x71: {  	_ =	shalt  }
0x72: {  	_ =	shalt  }
0x73: {  	_ =	shalt  }
0x74: {  	_ =	shalt  }
0x75: {  	_ =	shalt  }
0x76: {  	_ =	shalt  }
0x77: {  	_ =	shalt  }
0x78: {  	_ =	shalt  }
0x79: {  	_ =	shalt  }
0x7a: {  	_ =	shalt  }
0x7b: {  	_ =	shalt  }
0x7c: {  	_ =	shalt  }
0x7d: {  	_ =	shalt  }
0x7e: {  	_ =	shalt  }
0x7f: {  	_ =	shalt  }
0x80: {  	_ =	shalt  }
0x81: {  	_ =	shalt  }
0x82: {  	_ =	shalt  }
0x83: {  	_ =	shalt  }
0x84: {  	_ =	shalt  }
0x85: {  	_ =	shalt  }
0x86: {  	_ =	shalt  }
0x87: {  	_ =	shalt  }
.Lfunc_end0:
.L_simem_size_0:
called_computation_lowered:
.L_overlay_start_0:
0x88: {  	s2 =	sld [smem:$0x3FD9]  }
0x89: {  	s3 =	sld [smem:$0x3FFE];
	_ =	sdelay $0x1  }
0x8a: {  	s1 =	srdreg.scid  }
0x8b: {  	s0 =	sand.u32 $0x1, s1  }
0x8c: {  	s17 =	sshll.u32 s0, $0xA;
	s2 =	sadd.s32 s3, s2  }
0x8d: {  	s2 =	sadd.s32 s2, s17  }
0x8e: {  	[smem:$0x3FC5] =	sst s2  }
0x8f: {  	_ = 	snop  }
0x90: {  	s2 =	sld [smem:$0x3FC9];
	(tm) =	ssettm $0x1  }
0x91: {  	s18 =	sld [smem:$0x3FFB];
	_ =	sdelay $0x3  }
0x92: {  	_ =	strace s18  }
0x93: {  	s3 =	sld [smem:$0x3FFC];
	_ =	sdelay $0x3  }
0x94: {  	_ =	strace s3  }
0x95: {  	s3 =	sld [smem:$0x3FFD];
	_ =	sdelay $0x3  }
0x96: {  	_ =	strace s3  }
0x97: {  	_ =	strace $0x8FFFFFFF  }
0x98: {  	s19 =	sld [smem:$0x3FDB];
	_ =	sdelay $0x1  }
0x99: {  	s4 =	simm.s32 $_scs_section_size  }
0x9a: {  	s5 =	simm.s32 $_size__tile_overlayer_lowered;
	s6 =	simm.s32 $_tile_overlayer_lowered  }
0x9b: {  	s22 =	simm.s32 $0x1BFF;
	s21 =	sshll.u32 s6, $0x1;
	s3 =	sadd.s32 s4, s19  }
0x9c: {  	s7 =	simm.s32 $0x0;
	s20 =	sshll.u32 s5, $0x1;
	s5 =	sadd.s32 s21, s3  }
0x9d: {  	[timem:s7], [sflag:s22] =	dma.local [hbm:s5], s20  }
0x9e: {  	_ =	swait.ge [sflag:s22], s20  }
0x9f: {  	s4 =	ssub.s32 $0x0, s20;
	[sflag:s22] =	ssyncset.done $0x0  }
0xa0: {  	[sflag:s22] =	ssyncadd.s32 s4;
	_ =	sdelay $0x1  }
0xa1: {  	s23 =	simm.s32 $0x1B8B  }
0xa2: {  	_ =	swait.ge [sflag:s23], $0x1  }
0xa3: {  	[sflag:s23] =	ssyncset.done $0x0  }
0xa4: {  	s25 =	simm.s32 $0x1B8E;
	s24 =	sld [smem:$0x3FFE];
	[sflag:s23] =	ssyncadd.s32 $0xFFFFFFFF  }
0xa5: {  	s26 =	simm.s32 $execute0_lowered;
	[smem:$0x3FD2] =	sst s25  }
0xa6: {  	s5 =	sshll.u32 s26, $0x1;
	_ =	strace $0x80000046;
	[dreg:$0x1] =	wrdreg $0xFFFFFFFF  }
0xa7: {  	s28 =	simm.s32 $_size_execute0_lowered;
	s3 =	sadd.s32 s3, s5;
	[dreg:$0x0] =	wrdreg $0x0  }
0xa8: {  	s5 =	sshll.u32 s28, $0x1;
	[dreg:$0x2] =	wrdreg s3  }
0xa9: {  	[dreg:$0x3] =	wrdreg s5  }
0xaa: {  	[dreg:$0x4] =	wrdreg $0xC0  }
0xab: {  	_ =	task [dreg:s7], $0x5FFFF  }
0xac: {  	[dreg:$0x1] =	wrdreg $0xFFFFFFFF  }
0xad: {  	[dreg:$0x0] =	wrdreg $0x60  }
0xae: {  	[dreg:$0x2] =	wrdreg s2  }
0xaf: {  	[dreg:$0x3] =	wrdreg s24  }
0xb0: {  	[dreg:$0x4] =	wrdreg $0x9  }
0xb1: {  	_ =	task.clear_ibuf [dreg:s7], $0x5FFFF;
	_ =	strace $0x90000046  }
0xb2: {  	s29 =	simm.s32 $0x9;
	_ =	strace $0x80000048  }
0xb3: {  	_ =	swait.ge [sflag:s29], $0x1  }
0xb4: {  	[sflag:s29] =	ssyncadd.s32 $0xFFFFFFFF  }
0xb5: {  	_ =	strace $0x90000048  }
0xb6: {  	_ =	sfence  }
0xb7: {  	s30 =	sld [smem:$0x0];
	_ =	sdelay $0x2  }
0xb8: {  	s31 =	sshll.u32 s1, $0xD;
	s1 =	sshrl.u32 s1, $0x2  }
0xb9: {  	s3 =	sand.u32 $0x4000, s31;
	s1 =	sadd.s32 s1, s30  }
0xba: {  	s0 =	sor.u32 s3, s0;
	s1 =	sshll.u32 s1, $0x11  }
0xbb: {  	s0 =	sor.u32 s1, s0  }
0xbc: {  	s0 =	sadd.s32 $0x8F2B, s0  }
0xbd: {  	[sflag:s0] =	ssyncadd.remote.s32 $0x1  }
0xbe: {  	_ =	sfence.sel $0xFFFF  }
0xbf: {  	[dreg:$0x0] =	wrdreg $0xFFFFFFFF;
	(pc) =	sbr.abs _section_cstart, $3  }
0xc0: {  	[dreg:$0x1] =	wrdreg $0xFFFFFFFF  }
0xc1: {  	_ =	task.clear_ibuf [dreg:s7], $0x2FFFF;
	_ =	strace $0x9FFFFFFF  }
0xc2: {  	(tm) =	ssettm $0x7FFFFFFF  }
0xc3: {  	_ =	shalt  }
tec
execute0_lowered:
.L_overlay_start_1:
0x0: {  	(tag) =	ssettag $0x1  }
0x1: {  	s2 =	rddreg [dreg:$0x0]  }
0x2: {  	s0 =	rddreg [dreg:$0x1];
	s1 =	simm.s32 $0x0  }
0x3: {  	[smem:$0x7FF] =	sst s1;
	s14 =	sadd.s32 $0x16D400, s0  }
0x4: {  	s5 =	sadd.s32 $0x1600, s0;
	_ =	strace $0x80000047;
	[dreg:$0x13] =	wrdreg s14  }
0x5: {  	s21 =	sadd.s32 $0x16D500, s0;
	[dreg:$0x3] =	wrdreg s5  }
0x6: {  	s23 =	sadd.s32 $0x16D600, s0;
	[dreg:$0x14] =	wrdreg s21  }
0x7: {  	s24 =	sadd.s32 $0x16D700, s0;
	[dreg:$0x15] =	wrdreg s23  }
0x8: {  	s25 =	sadd.s32 $0x16D800, s0;
	[dreg:$0x16] =	wrdreg s24  }
0x9: {  	s26 =	sadd.s32 $0x16D900, s0;
	[dreg:$0x17] =	wrdreg s25  }
0xa: {  	s28 =	sadd.s32 $0x16DA00, s0;
	[dreg:$0x18] =	wrdreg s26  }
0xb: {  	s29 =	sadd.s32 $0x16DB00, s0;
	[dreg:$0x19] =	wrdreg s28  }
0xc: {  	s30 =	sadd.s32 $0x16DC00, s0;
	[dreg:$0x1a] =	wrdreg s29  }
0xd: {  	s8 =	sadd.s32 $0x16E100, s0;
	[dreg:$0x1b] =	wrdreg s30  }
0xe: {  	s10 =	sadd.s32 $0x16E200, s0;
	[dreg:$0x1f] =	wrdreg s8  }
0xf: {  	s11 =	sadd.s32 $0x16E300, s0;
	[smem:$0x7F0] =	sst s10  }
0x10: {  	s5 =	sadd.s32 $0x16DE00, s0;
	[smem:$0x7F1] =	sst s11  }
0x11: {  	s21 =	sadd.s32 $0x16E800, s0;
	[dreg:$0x1d] =	wrdreg s5  }
0x12: {  	s3 =	srdreg.scid;
	s23 =	sadd.s32 $0x16E900, s0;
	[smem:$0x7F6] =	sst s21  }
0x13: {  	s6 =	stileid.u32;
	s24 =	sadd.s32 $0x16EA00, s0;
	[smem:$0x7F7] =	sst s23  }
0x14: {  	s13 =	sadd.s32 $0x16D200, s0;
	s25 =	sadd.s32 $0x16E000, s0;
	[smem:$0x7F8] =	sst s24  }
0x15: {  	s4 =	sand.u32 $0x1, s3;
	s26 =	sadd.s32 $0x16EB00, s0;
	[smem:$0x7F9] =	sst s25  }
0x16: {  	s6 =	sshll.u32 s6, $0x6;
	s28 =	simm.s32 $0x200;
	[smem:$0x7FA] =	sst s26  }
0x17: {  	s7 =	sshll.u32 s4, $0x5;
	s29 =	sadd.s32 $0x16EC00, s0;
	[dreg:$0x12] =	wrdreg s28  }
0x18: {  	s4 =	ssub.s32 $0x2, s4;
	s30 =	sadd.s32 $0x16ED00, s0;
	[smem:$0x7FB] =	sst s29  }
0x19: {  	s15 =	sor.u32 s7, s6;
	s17 =	sshrl.u32 s4, $0x1;
	[smem:$0x7FC] =	sst s30  }
0x1a: {  	s14 =	sshrl.u32 s15, $0x3;
	s31 =	ssub.s32 s4, s17;
	s4 =	sadd.s32 $0x16DD00, s0  }
0x1b: {  	s6 =	sshll.u32 s15, $0x4;
	s2 =	sadd.s32 s2, s14;
	[dreg:$0x1c] =	wrdreg s4  }
0x1c: {  	s19 =	sadd.s32 s6, s0;
	s16 =	sadd.s32 s13, s14;
	[dreg:$0x4] =	wrdreg s2  }
0x1d: {  	s15 =	sor.u32 $0x1, s14;
	s6 =	sadd.s32 $0x16DF00, s0;
	[dreg:$0x5] =	wrdreg s16  }
0x1e: {  	s22 =	sor.u32 $0x2, s14;
	s20 =	sadd.s32 s13, s15;
	[dreg:$0x1e] =	wrdreg s6  }
0x1f: {  	s9 =	sadd.s32 s13, s22;
	s16 =	sor.u32 $0x3, s14;
	[dreg:$0x6] =	wrdreg s20  }
0x20: {  	s7 =	smul.u32 $0x1B00, s15;
	s15 =	sadd.s32 $0x16E500, s0;
	[dreg:$0x7] =	wrdreg s9  }
0x21: {  	s2 =	smul.u32 $0x1B00, s22;
	s22 =	simm.s32 $0x180;
	[smem:$0x7F3] =	sst s15  }
0x22: {  	s17 =	sadd.s32 s13, s16;
	[dreg:$0x11] =	wrdreg s22  }
0x23: {  	s13 =	sadd.s32 $0x16E400, s0;
	[dreg:$0x8] =	wrdreg s17  }
0x24: {  	s20 =	smul.u32 $0x1B00, s14;
	s14 =	sadd.s32 $0x1C600, s19;
	[smem:$0x7F2] =	sst s13  }
0x25: {  	s9 =	smul.u32 $0x1B00, s16;
	s16 =	simm.s32 $0x20;
	[dreg:$0xd] =	wrdreg s14  }
0x26: {  	s18 =	sadd.s32 $0x20600, s0;
	s19 =	sadd.s32 $0x16E700, s0;
	[dreg:$0xe] =	wrdreg s16  }
0x27: {  	s17 =	sadd.s32 s18, s7;
	[smem:$0x7F5] =	sst s19  }
0x28: {  	s2 =	sadd.s32 s18, s2;
	[dreg:$0xa] =	wrdreg s17  }
0x29: {  	s20 =	sadd.s32 s18, s20;
	[dreg:$0xb] =	wrdreg s2  }
0x2a: {  	s12 =	sadd.s32 s18, s9;
	[dreg:$0x9] =	wrdreg s20  }
0x2b: {  	s17 =	sadd.s32 $0x16E600, s0;
	[dreg:$0xc] =	wrdreg s12  }
0x2c: {  	s18 =	simm.s32 $0x80;
	[smem:$0x7F4] =	sst s17  }
0x2d: {  	v0 =	vlaneseq.u32;
	s0 =	sadd.s32 $0x16EE00, s0;
	[dreg:$0xf] =	wrdreg s18  }
0x2e: {  	v1 =	vshrl.u32 v0, $0x3;
	s20 =	simm.s32 $0x100;
	[smem:$0x7FD] =	sst s0  }
0x2f: {  	vm0 =	vmmov $0xffff;
	v0 =	vand.u32 $0x7, v0;
	s8 =	simm.s32 $0x3;
	v1 =	vmul.u32 $0x8, v1;
	s3 =	smax.u32 s31, $0x1;
	[dreg:$0x10] =	wrdreg s20  }
.LBB2_1:
0x30: {  	[smem:$0x7EF] =	sst s3  }
0x31: {  	s12 =	rddreg [dreg:$0x4]  }
0x32: {  	[tilespmem:s1], [sflag:$0x3] =	stream.linear.gather [hbm4b:s12+s1], $0x20, $0x38;
	[tilespmem:$0x1C280] =	vst v63  }
0x33: {  	_ =	swait.ge [sflag:s8], $0x20  }
0x34: {  	s13 =	rddreg [dreg:$0x3]  }
0x35: {  	s4 =	rddreg [dreg:$0xe];
	[sflag:s8] =	ssyncset.done $0x0  }
0x36: {  	s7 =	simm.s32 $0x1B280;
	s5 =	rddreg [dreg:$0x5];
	[sflag:s8] =	ssyncadd.s32 $0xFFFFFFE0  }
0x37: {  	[tilespmem:s7], [sflag:$0x1] =	stream.indirect.gather [hbm4b:s13+s4], $0x80, s1, s4, $0xb8;
	[tilespmem:$0x1C280] =	vst v63  }
0x38: {  	s6 =	rddreg [dreg:$0xf]  }
0x39: {  	[tilespmem:s6], [sflag:$0x3] =	stream.linear.gather [hbm4b:s5+s1], $0x8, $0x38;
	[tilespmem:$0x1C280] =	vst v63  }
0x3a: {  	_ =	swait.ge [sflag:s8], $0x8  }
0x3b: {  	s14 =	rddreg [dreg:$0x6];
	[sflag:s8] =	ssyncset.done $0x0  }
0x3c: {  	s15 =	rddreg [dreg:$0x10];
	[sflag:s8] =	ssyncadd.s32 $0xFFFFFFF8  }
0x3d: {  	[tilespmem:s15], [sflag:$0x3] =	stream.linear.gather [hbm4b:s14+s1], $0x8, $0x38;
	[tilespmem:$0x1C280] =	vst v63  }
0x3e: {  	_ =	swait.ge [sflag:s8], $0x8  }
0x3f: {  	s16 =	rddreg [dreg:$0x7];
	[sflag:s8] =	ssyncset.done $0x0  }
0x40: {  	s17 =	rddreg [dreg:$0x11];
	[sflag:s8] =	ssyncadd.s32 $0xFFFFFFF8  }
0x41: {  	[tilespmem:s17], [sflag:$0x3] =	stream.linear.gather [hbm4b:s16+s1], $0x8, $0x38;
	[tilespmem:$0x1C280] =	vst v63  }
0x42: {  	_ =	swait.ge [sflag:s8], $0x8  }
0x43: {  	s18 =	rddreg [dreg:$0x8];
	[sflag:s8] =	ssyncset.done $0x0  }
0x44: {  	s19 =	rddreg [dreg:$0x12];
	[sflag:s8] =	ssyncadd.s32 $0xFFFFFFF8  }
0x45: {  	[tilespmem:s19], [sflag:$0x3] =	stream.linear.gather [hbm4b:s18+s1], $0x8, $0x38;
	[tilespmem:$0x1C280] =	vst v63  }
0x46: {  	_ =	swait.ge [sflag:s8], $0x8  }
0x47: {  	[sflag:s8] =	ssyncset.done $0x0  }
0x48: {  	[sflag:s8] =	ssyncadd.s32 $0xFFFFFFF8  }
0x49: {  	v2 =	vld.msk [tilespmem:$0x80], $0xff;
	_ =	sdelay $0x4  }
0x4a: {  	v3 =	vshrl.u32 v2, $0x3  }
0x4b: {  	v3 =	vmul.u32 $0x1B0, v3  }
0x4c: {  	v2 =	vand.u32 $0x7, v2  }
0x4d: {  	v2 =	vor.u32 v2, v3  }
0x4e: {  	v2 =	vperm.xlane v2, v0;
	_ =	sdelay $0x1  }
0x4f: {  	v2 =	vadd.s32 v1, v2;
	_ =	sdelay $0x2  }
0x50: {  	s0 =	rddreg [dreg:$0x13]  }
0x51: {  	s20 =	simm.s32 $0x280;
	s5 =	rddreg [dreg:$0x14]  }
0x52: {  	[tilespmem:s20], [sflag:$0x2] =	stream.indirect_vreg.gather [hbm4b:s0+s1], $0x80, v2, vm0, $0xb8;
	[tilespmem:$0x1C280] =	vst v63  }
0x53: {  	s21 =	simm.s32 $0xA80;
	s6 =	rddreg [dreg:$0x15]  }
0x54: {  	[tilespmem:s21], [sflag:$0x2] =	stream.indirect_vreg.gather [hbm4b:s5+s1], $0x80, v2, vm0, $0xb8;
	[tilespmem:$0x1C280] =	vst v63  }
0x55: {  	s22 =	simm.s32 $0x1280;
	s7 =	rddreg [dreg:$0x16]  }
0x56: {  	[tilespmem:s22], [sflag:$0x2] =	stream.indirect_vreg.gather [hbm4b:s6+s1], $0x80, v2, vm0, $0xb8;
	[tilespmem:$0x1C280] =	vst v63  }
0x57: {  	s23 =	simm.s32 $0x1A80;
	s24 =	rddreg [dreg:$0x17]  }
0x58: {  	[tilespmem:s23], [sflag:$0x2] =	stream.indirect_vreg.gather [hbm4b:s7+s1], $0x80, v2, vm0, $0xb8;
	[tilespmem:$0x1C280] =	vst v63  }
0x59: {  	s2 =	simm.s32 $0x2280;
	s9 =	rddreg [dreg:$0x18]  }
0x5a: {  	[tilespmem:s2], [sflag:$0x2] =	stream.indirect_vreg.gather [hbm4b:s24+s1], $0x80, v2, vm0, $0xb8;
	[tilespmem:$0x1C280] =	vst v63  }
0x5b: {  	s25 =	simm.s32 $0x2A80;
	s10 =	rddreg [dreg:$0x19]  }
0x5c: {  	[tilespmem:s25], [sflag:$0x2] =	stream.indirect_vreg.gather [hbm4b:s9+s1], $0x80, v2, vm0, $0xb8;
	[tilespmem:$0x1C280] =	vst v63  }
0x5d: {  	s26 =	simm.s32 $0x3280;
	s11 =	rddreg [dreg:$0x1a]  }
0x5e: {  	[tilespmem:s26], [sflag:$0x2] =	stream.indirect_vreg.gather [hbm4b:s10+s1], $0x80, v2, vm0, $0xb8;
	[tilespmem:$0x1C280] =	vst v63  }
0x5f: {  	s28 =	simm.s32 $0x3A80;
	s12 =	rddreg [dreg:$0x1b]  }
0x60: {  	[tilespmem:s28], [sflag:$0x2] =	stream.indirect_vreg.gather [hbm4b:s11+s1], $0x80, v2, vm0, $0xb8;
	[tilespmem:$0x1C280] =	vst v63  }
0x61: {  	s29 =	simm.s32 $0x4280;
	s13 =	rddreg [dreg:$0x1c]  }
0x62: {  	[tilespmem:s29], [sflag:$0x2] =	stream.indirect_vreg.gather [hbm4b:s12+s1], $0x80, v2, vm0, $0xb8;
	[tilespmem:$0x1C280] =	vst v63  }
0x63: {  	s30 =	simm.s32 $0x4A80;
	s14 =	rddreg [dreg:$0x1d]  }
0x64: {  	[tilespmem:s30], [sflag:$0x2] =	stream.indirect_vreg.gather [hbm4b:s13+s1], $0x80, v2, vm0, $0xb8;
	[tilespmem:$0x1C280] =	vst v63  }
0x65: {  	s31 =	simm.s32 $0x5280;
	s15 =	rddreg [dreg:$0x1e]  }
0x66: {  	[tilespmem:s31], [sflag:$0x2] =	stream.indirect_vreg.gather [hbm4b:s14+s1], $0x80, v2, vm0, $0xb8;
	[tilespmem:$0x1C280] =	vst v63  }
0x67: {  	s4 =	simm.s32 $0x5A80;
	s26 =	sld [smem:$0x7F9]  }
0x68: {  	[tilespmem:s4], [sflag:$0x2] =	stream.indirect_vreg.gather [hbm4b:s15+s1], $0x80, v2, vm0, $0xb8;
	[tilespmem:$0x1C280] =	vst v63  }
0x69: {  	s16 =	simm.s32 $0x6280  }
0x6a: {  	[tilespmem:s16], [sflag:$0x2] =	stream.indirect_vreg.gather [hbm4b:s26+s1], $0x80, v2, vm0, $0xb8;
	[tilespmem:$0x1C280] =	vst v63  }
0x6b: {  	s17 =	simm.s32 $0x6A80;
	s16 =	rddreg [dreg:$0x1f]  }
0x6c: {  	[tilespmem:s17], [sflag:$0x2] =	stream.indirect_vreg.gather [hbm4b:s16+s1], $0x80, v2, vm0, $0xb8;
	[tilespmem:$0x1C280] =	vst v63  }
0x6d: {  	s17 =	sld [smem:$0x7F0];
	_ =	sdelay $0x1  }
0x6e: {  	s18 =	simm.s32 $0x7280  }
0x6f: {  	[tilespmem:s18], [sflag:$0x2] =	stream.indirect_vreg.gather [hbm4b:s17+s1], $0x80, v2, vm0, $0xb8;
	[tilespmem:$0x1C280] =	vst v63  }
0x70: {  	s18 =	sld [smem:$0x7F1];
	_ =	sdelay $0x1  }
0x71: {  	s19 =	simm.s32 $0x7A80  }
0x72: {  	[tilespmem:s19], [sflag:$0x2] =	stream.indirect_vreg.gather [hbm4b:s18+s1], $0x80, v2, vm0, $0xb8;
	[tilespmem:$0x1C280] =	vst v63  }
0x73: {  	s19 =	sld [smem:$0x7F2];
	_ =	sdelay $0x1  }
0x74: {  	s20 =	simm.s32 $0x8280  }
0x75: {  	[tilespmem:s20], [sflag:$0x2] =	stream.indirect_vreg.gather [hbm4b:s19+s1], $0x80, v2, vm0, $0xb8;
	[tilespmem:$0x1C280] =	vst v63  }
0x76: {  	s20 =	sld [smem:$0x7F3];
	_ =	sdelay $0x1  }
0x77: {  	s21 =	simm.s32 $0x8A80  }
0x78: {  	[tilespmem:s21], [sflag:$0x2] =	stream.indirect_vreg.gather [hbm4b:s20+s1], $0x80, v2, vm0, $0xb8;
	[tilespmem:$0x1C280] =	vst v63  }
0x79: {  	s21 =	sld [smem:$0x7F4];
	_ =	sdelay $0x1  }
0x7a: {  	s22 =	simm.s32 $0x9280  }
0x7b: {  	[tilespmem:s22], [sflag:$0x2] =	stream.indirect_vreg.gather [hbm4b:s21+s1], $0x80, v2, vm0, $0xb8;
	[tilespmem:$0x1C280] =	vst v63  }
0x7c: {  	s22 =	sld [smem:$0x7F5];
	_ =	sdelay $0x1  }
0x7d: {  	s23 =	simm.s32 $0x9A80  }
0x7e: {  	[tilespmem:s23], [sflag:$0x2] =	stream.indirect_vreg.gather [hbm4b:s22+s1], $0x80, v2, vm0, $0xb8;
	[tilespmem:$0x1C280] =	vst v63  }
0x7f: {  	s23 =	sld [smem:$0x7F6];
	_ =	sdelay $0x1  }
0x80: {  	s2 =	smov.u32 s24;
	s24 =	simm.s32 $0xA280  }
0x81: {  	[tilespmem:s24], [sflag:$0x2] =	stream.indirect_vreg.gather [hbm4b:s23+s1], $0x80, v2, vm0, $0xb8;
	[tilespmem:$0x1C280] =	vst v63  }
0x82: {  	s24 =	sld [smem:$0x7F7];
	_ =	sdelay $0x1  }
0x83: {  	s25 =	simm.s32 $0xAA80  }
0x84: {  	[tilespmem:s25], [sflag:$0x2] =	stream.indirect_vreg.gather [hbm4b:s24+s1], $0x80, v2, vm0, $0xb8;
	[tilespmem:$0x1C280] =	vst v63  }
0x85: {  	s25 =	sld [smem:$0x7F8];
	_ =	sdelay $0x1  }
0x86: {  	s28 =	simm.s32 $0xB280  }
0x87: {  	[tilespmem:s28], [sflag:$0x2] =	stream.indirect_vreg.gather [hbm4b:s25+s1], $0x80, v2, vm0, $0xb8;
	[tilespmem:$0x1C280] =	vst v63  }
0x88: {  	s28 =	sld [smem:$0x7FA];
	_ =	sdelay $0x1  }
0x89: {  	s29 =	simm.s32 $0xBA80  }
0x8a: {  	[tilespmem:s29], [sflag:$0x2] =	stream.indirect_vreg.gather [hbm4b:s28+s1], $0x80, v2, vm0, $0xb8;
	[tilespmem:$0x1C280] =	vst v63  }
0x8b: {  	s29 =	sld [smem:$0x7FB];
	_ =	sdelay $0x1  }
0x8c: {  	s30 =	simm.s32 $0xC280  }
0x8d: {  	[tilespmem:s30], [sflag:$0x2] =	stream.indirect_vreg.gather [hbm4b:s29+s1], $0x80, v2, vm0, $0xb8;
	[tilespmem:$0x1C280] =	vst v63  }
0x8e: {  	s30 =	sld [smem:$0x7FC];
	_ =	sdelay $0x1  }
0x8f: {  	s31 =	simm.s32 $0xCA80  }
0x90: {  	[tilespmem:s31], [sflag:$0x2] =	stream.indirect_vreg.gather [hbm4b:s30+s1], $0x80, v2, vm0, $0xb8;
	[tilespmem:$0x1C280] =	vst v63  }
0x91: {  	s31 =	sld [smem:$0x7FD];
	_ =	sdelay $0x1  }
0x92: {  	s4 =	simm.s32 $0xD280  }
0x93: {  	[tilespmem:s4], [sflag:$0x2] =	stream.indirect_vreg.gather [hbm4b:s31+s1], $0x80, v2, vm0, $0xb8;
	[tilespmem:$0x1C280] =	vst v63  }
0x94: {  	v2 =	vld.msk [tilespmem:$0x100], $0xff;
	_ =	sdelay $0x4  }
0x95: {  	v3 =	vshrl.u32 v2, $0x3  }
0x96: {  	v3 =	vmul.u32 $0x1B0, v3  }
0x97: {  	v2 =	vand.u32 $0x7, v2  }
0x98: {  	v2 =	vor.u32 v2, v3  }
0x99: {  	v2 =	vperm.xlane v2, v0;
	_ =	sdelay $0x1  }
0x9a: {  	v2 =	vadd.s32 v1, v2;
	_ =	sdelay $0x3  }
0x9b: {  	s3 =	smov.u32 s0;
	s4 =	simm.s32 $0xDA80  }
0x9c: {  	[tilespmem:s4], [sflag:$0x2] =	stream.indirect_vreg.gather [hbm4b:s3+s1], $0x80, v2, vm0, $0xb8;
	[tilespmem:$0x1C280] =	vst v63  }
0x9d: {  	s4 =	simm.s32 $0xE280  }
0x9e: {  	[tilespmem:s4], [sflag:$0x2] =	stream.indirect_vreg.gather [hbm4b:s5+s1], $0x80, v2, vm0, $0xb8;
	[tilespmem:$0x1C280] =	vst v63  }
0x9f: {  	s3 =	simm.s32 $0xEA80  }
0xa0: {  	[tilespmem:s3], [sflag:$0x2] =	stream.indirect_vreg.gather [hbm4b:s6+s1], $0x80, v2, vm0, $0xb8;
	[tilespmem:$0x1C280] =	vst v63  }
0xa1: {  	s4 =	simm.s32 $0xF280  }
0xa2: {  	[tilespmem:s4], [sflag:$0x2] =	stream.indirect_vreg.gather [hbm4b:s7+s1], $0x80, v2, vm0, $0xb8;
	[tilespmem:$0x1C280] =	vst v63  }
0xa3: {  	s3 =	simm.s32 $0xFA80  }
0xa4: {  	[tilespmem:s3], [sflag:$0x2] =	stream.indirect_vreg.gather [hbm4b:s2+s1], $0x80, v2, vm0, $0xb8;
	[tilespmem:$0x1C280] =	vst v63  }
0xa5: {  	s4 =	simm.s32 $0x10280  }
0xa6: {  	[tilespmem:s4], [sflag:$0x2] =	stream.indirect_vreg.gather [hbm4b:s9+s1], $0x80, v2, vm0, $0xb8;
	[tilespmem:$0x1C280] =	vst v63  }
0xa7: {  	s3 =	simm.s32 $0x10A80  }
0xa8: {  	[tilespmem:s3], [sflag:$0x2] =	stream.indirect_vreg.gather [hbm4b:s10+s1], $0x80, v2, vm0, $0xb8;
	[tilespmem:$0x1C280] =	vst v63  }
0xa9: {  	s4 =	simm.s32 $0x11280  }
0xaa: {  	[tilespmem:s4], [sflag:$0x2] =	stream.indirect_vreg.gather [hbm4b:s11+s1], $0x80, v2, vm0, $0xb8;
	[tilespmem:$0x1C280] =	vst v63  }
0xab: {  	s3 =	simm.s32 $0x11A80  }
0xac: {  	[tilespmem:s3], [sflag:$0x2] =	stream.indirect_vreg.gather [hbm4b:s12+s1], $0x80, v2, vm0, $0xb8;
	[tilespmem:$0x1C280] =	vst v63  }
0xad: {  	s4 =	simm.s32 $0x12280  }
0xae: {  	[tilespmem:s4], [sflag:$0x2] =	stream.indirect_vreg.gather [hbm4b:s13+s1], $0x80, v2, vm0, $0xb8;
	[tilespmem:$0x1C280] =	vst v63  }
0xaf: {  	s3 =	simm.s32 $0x12A80  }
0xb0: {  	[tilespmem:s3], [sflag:$0x2] =	stream.indirect_vreg.gather [hbm4b:s14+s1], $0x80, v2, vm0, $0xb8;
	[tilespmem:$0x1C280] =	vst v63  }
0xb1: {  	s4 =	simm.s32 $0x13280  }
0xb2: {  	[tilespmem:s4], [sflag:$0x2] =	stream.indirect_vreg.gather [hbm4b:s15+s1], $0x80, v2, vm0, $0xb8;
	[tilespmem:$0x1C280] =	vst v63  }
0xb3: {  	s3 =	simm.s32 $0x13A80  }
0xb4: {  	[tilespmem:s3], [sflag:$0x2] =	stream.indirect_vreg.gather [hbm4b:s26+s1], $0x80, v2, vm0, $0xb8;
	[tilespmem:$0x1C280] =	vst v63  }
0xb5: {  	s4 =	simm.s32 $0x14280  }
0xb6: {  	[tilespmem:s4], [sflag:$0x2] =	stream.indirect_vreg.gather [hbm4b:s16+s1], $0x80, v2, vm0, $0xb8;
	[tilespmem:$0x1C280] =	vst v63  }
0xb7: {  	s3 =	simm.s32 $0x14A80  }
0xb8: {  	[tilespmem:s3], [sflag:$0x2] =	stream.indirect_vreg.gather [hbm4b:s17+s1], $0x80, v2, vm0, $0xb8;
	[tilespmem:$0x1C280] =	vst v63  }
0xb9: {  	s4 =	simm.s32 $0x15280  }
0xba: {  	[tilespmem:s4], [sflag:$0x2] =	stream.indirect_vreg.gather [hbm4b:s18+s1], $0x80, v2, vm0, $0xb8;
	[tilespmem:$0x1C280] =	vst v63  }
0xbb: {  	s3 =	simm.s32 $0x15A80  }
0xbc: {  	[tilespmem:s3], [sflag:$0x2] =	stream.indirect_vreg.gather [hbm4b:s19+s1], $0x80, v2, vm0, $0xb8;
	[tilespmem:$0x1C280] =	vst v63  }
0xbd: {  	s4 =	simm.s32 $0x16280  }
0xbe: {  	[tilespmem:s4], [sflag:$0x2] =	stream.indirect_vreg.gather [hbm4b:s20+s1], $0x80, v2, vm0, $0xb8;
	[tilespmem:$0x1C280] =	vst v63  }
0xbf: {  	s3 =	simm.s32 $0x16A80  }
0xc0: {  	[tilespmem:s3], [sflag:$0x2] =	stream.indirect_vreg.gather [hbm4b:s21+s1], $0x80, v2, vm0, $0xb8;
	[tilespmem:$0x1C280] =	vst v63  }
0xc1: {  	s4 =	simm.s32 $0x17280  }
0xc2: {  	[tilespmem:s4], [sflag:$0x2] =	stream.indirect_vreg.gather [hbm4b:s22+s1], $0x80, v2, vm0, $0xb8;
	[tilespmem:$0x1C280] =	vst v63  }
0xc3: {  	s3 =	simm.s32 $0x17A80  }
0xc4: {  	[tilespmem:s3], [sflag:$0x2] =	stream.indirect_vreg.gather [hbm4b:s23+s1], $0x80, v2, vm0, $0xb8;
	[tilespmem:$0x1C280] =	vst v63  }
0xc5: {  	s4 =	simm.s32 $0x18280  }
0xc6: {  	[tilespmem:s4], [sflag:$0x2] =	stream.indirect_vreg.gather [hbm4b:s24+s1], $0x80, v2, vm0, $0xb8;
	[tilespmem:$0x1C280] =	vst v63  }
0xc7: {  	s3 =	simm.s32 $0x18A80  }
0xc8: {  	[tilespmem:s3], [sflag:$0x2] =	stream.indirect_vreg.gather [hbm4b:s25+s1], $0x80, v2, vm0, $0xb8;
	[tilespmem:$0x1C280] =	vst v63  }
0xc9: {  	s4 =	simm.s32 $0x19280  }
0xca: {  	[tilespmem:s4], [sflag:$0x2] =	stream.indirect_vreg.gather [hbm4b:s28+s1], $0x80, v2, vm0, $0xb8;
	[tilespmem:$0x1C280] =	vst v63  }
0xcb: {  	s3 =	simm.s32 $0x19A80  }
0xcc: {  	[tilespmem:s3], [sflag:$0x2] =	stream.indirect_vreg.gather [hbm4b:s29+s1], $0x80, v2, vm0, $0xb8;
	[tilespmem:$0x1C280] =	vst v63  }
0xcd: {  	s4 =	simm.s32 $0x1A280  }
0xce: {  	[tilespmem:s4], [sflag:$0x2] =	stream.indirect_vreg.gather [hbm4b:s30+s1], $0x80, v2, vm0, $0xb8;
	[tilespmem:$0x1C280] =	vst v63  }
0xcf: {  	s0 =	simm.s32 $0x2;
	s3 =	simm.s32 $0x1AA80  }
0xd0: {  	[tilespmem:s3], [sflag:$0x2] =	stream.indirect_vreg.gather [hbm4b:s31+s1], $0x80, v2, vm0, $0xb8;
	[tilespmem:$0x1C280] =	vst v63  }
0xd1: {  	_ =	swait.ge [sflag:s0], $0xD800  }
0xd2: {  	[sflag:s0] =	ssyncset.done $0x0  }
0xd3: {  	s4 =	simm.s32 $0x280;
	s3 =	rddreg [dreg:$0x9];
	[sflag:s0] =	ssyncadd.s32 $0xFFFF2800  }
0xd4: {  	[hbm4b:s3+s1] =	stream.linear.scatter [tilespmem:s4], [sflag:$0x3], $0xD800, $0x38;
	[tilespmem:$0x1C280] =	vst v63  }
0xd5: {  	_ =	swait.ge [sflag:s8], $0xD800  }
0xd6: {  	[sflag:s8] =	ssyncset.done $0x0  }
0xd7: {  	[sflag:s8] =	ssyncadd.s32 $0xFFFF2800  }
0xd8: {  	v2 =	vld.msk [tilespmem:$0x180], $0xff;
	_ =	sdelay $0x4  }
0xd9: {  	v3 =	vshrl.u32 v2, $0x3  }
0xda: {  	v3 =	vmul.u32 $0x1B0, v3  }
0xdb: {  	v2 =	vand.u32 $0x7, v2  }
0xdc: {  	v2 =	vor.u32 v2, v3  }
0xdd: {  	v2 =	vperm.xlane v2, v0;
	_ =	sdelay $0x1  }
0xde: {  	v2 =	vadd.s32 v1, v2;
	_ =	sdelay $0x3  }
0xdf: {  	s3 =	rddreg [dreg:$0x13]  }
0xe0: {  	[tilespmem:s4], [sflag:$0x2] =	stream.indirect_vreg.gather [hbm4b:s3+s1], $0x80, v2, vm0, $0xb8;
	[tilespmem:$0x1C280] =	vst v63  }
0xe1: {  	s4 =	simm.s32 $0xA80  }
0xe2: {  	[tilespmem:s4], [sflag:$0x2] =	stream.indirect_vreg.gather [hbm4b:s5+s1], $0x80, v2, vm0, $0xb8;
	[tilespmem:$0x1C280] =	vst v63  }
0xe3: {  	s4 =	simm.s32 $0x1280  }
0xe4: {  	[tilespmem:s4], [sflag:$0x2] =	stream.indirect_vreg.gather [hbm4b:s6+s1], $0x80, v2, vm0, $0xb8;
	[tilespmem:$0x1C280] =	vst v63  }
0xe5: {  	s4 =	simm.s32 $0x1A80  }
0xe6: {  	[tilespmem:s4], [sflag:$0x2] =	stream.indirect_vreg.gather [hbm4b:s7+s1], $0x80, v2, vm0, $0xb8;
	[tilespmem:$0x1C280] =	vst v63  }
0xe7: {  	s4 =	simm.s32 $0x2280  }
0xe8: {  	[tilespmem:s4], [sflag:$0x2] =	stream.indirect_vreg.gather [hbm4b:s2+s1], $0x80, v2, vm0, $0xb8;
	[tilespmem:$0x1C280] =	vst v63  }
0xe9: {  	s3 =	simm.s32 $0x2A80  }
0xea: {  	[tilespmem:s3], [sflag:$0x2] =	stream.indirect_vreg.gather [hbm4b:s9+s1], $0x80, v2, vm0, $0xb8;
	[tilespmem:$0x1C280] =	vst v63  }
0xeb: {  	s3 =	simm.s32 $0x3280  }
0xec: {  	[tilespmem:s3], [sflag:$0x2] =	stream.indirect_vreg.gather [hbm4b:s10+s1], $0x80, v2, vm0, $0xb8;
	[tilespmem:$0x1C280] =	vst v63  }
0xed: {  	s3 =	simm.s32 $0x3A80  }
0xee: {  	[tilespmem:s3], [sflag:$0x2] =	stream.indirect_vreg.gather [hbm4b:s11+s1], $0x80, v2, vm0, $0xb8;
	[tilespmem:$0x1C280] =	vst v63  }
0xef: {  	s3 =	simm.s32 $0x4280  }
0xf0: {  	[tilespmem:s3], [sflag:$0x2] =	stream.indirect_vreg.gather [hbm4b:s12+s1], $0x80, v2, vm0, $0xb8;
	[tilespmem:$0x1C280] =	vst v63  }
0xf1: {  	s3 =	simm.s32 $0x4A80  }
0xf2: {  	[tilespmem:s3], [sflag:$0x2] =	stream.indirect_vreg.gather [hbm4b:s13+s1], $0x80, v2, vm0, $0xb8;
	[tilespmem:$0x1C280] =	vst v63  }
0xf3: {  	s3 =	simm.s32 $0x5280  }
0xf4: {  	[tilespmem:s3], [sflag:$0x2] =	stream.indirect_vreg.gather [hbm4b:s14+s1], $0x80, v2, vm0, $0xb8;
	[tilespmem:$0x1C280] =	vst v63  }
0xf5: {  	s3 =	simm.s32 $0x5A80  }
0xf6: {  	[tilespmem:s3], [sflag:$0x2] =	stream.indirect_vreg.gather [hbm4b:s15+s1], $0x80, v2, vm0, $0xb8;
	[tilespmem:$0x1C280] =	vst v63  }
0xf7: {  	s3 =	simm.s32 $0x6280  }
0xf8: {  	[tilespmem:s3], [sflag:$0x2] =	stream.indirect_vreg.gather [hbm4b:s26+s1], $0x80, v2, vm0, $0xb8;
	[tilespmem:$0x1C280] =	vst v63  }
0xf9: {  	s3 =	simm.s32 $0x6A80  }
0xfa: {  	[tilespmem:s3], [sflag:$0x2] =	stream.indirect_vreg.gather [hbm4b:s16+s1], $0x80, v2, vm0, $0xb8;
	[tilespmem:$0x1C280] =	vst v63  }
0xfb: {  	s3 =	simm.s32 $0x7280  }
0xfc: {  	[tilespmem:s3], [sflag:$0x2] =	stream.indirect_vreg.gather [hbm4b:s17+s1], $0x80, v2, vm0, $0xb8;
	[tilespmem:$0x1C280] =	vst v63  }
0xfd: {  	s3 =	simm.s32 $0x7A80  }
0xfe: {  	[tilespmem:s3], [sflag:$0x2] =	stream.indirect_vreg.gather [hbm4b:s18+s1], $0x80, v2, vm0, $0xb8;
	[tilespmem:$0x1C280] =	vst v63  }
0xff: {  	s3 =	simm.s32 $0x8280  }
0x100: {  	[tilespmem:s3], [sflag:$0x2] =	stream.indirect_vreg.gather [hbm4b:s19+s1], $0x80, v2, vm0, $0xb8;
	[tilespmem:$0x1C280] =	vst v63  }
0x101: {  	s3 =	simm.s32 $0x8A80  }
0x102: {  	[tilespmem:s3], [sflag:$0x2] =	stream.indirect_vreg.gather [hbm4b:s20+s1], $0x80, v2, vm0, $0xb8;
	[tilespmem:$0x1C280] =	vst v63  }
0x103: {  	s3 =	simm.s32 $0x9280  }
0x104: {  	[tilespmem:s3], [sflag:$0x2] =	stream.indirect_vreg.gather [hbm4b:s21+s1], $0x80, v2, vm0, $0xb8;
	[tilespmem:$0x1C280] =	vst v63  }
0x105: {  	s3 =	simm.s32 $0x9A80  }
0x106: {  	[tilespmem:s3], [sflag:$0x2] =	stream.indirect_vreg.gather [hbm4b:s22+s1], $0x80, v2, vm0, $0xb8;
	[tilespmem:$0x1C280] =	vst v63  }
0x107: {  	s3 =	simm.s32 $0xA280  }
0x108: {  	[tilespmem:s3], [sflag:$0x2] =	stream.indirect_vreg.gather [hbm4b:s23+s1], $0x80, v2, vm0, $0xb8;
	[tilespmem:$0x1C280] =	vst v63  }
0x109: {  	s3 =	simm.s32 $0xAA80  }
0x10a: {  	[tilespmem:s3], [sflag:$0x2] =	stream.indirect_vreg.gather [hbm4b:s24+s1], $0x80, v2, vm0, $0xb8;
	[tilespmem:$0x1C280] =	vst v63  }
0x10b: {  	s3 =	simm.s32 $0xB280  }
0x10c: {  	[tilespmem:s3], [sflag:$0x2] =	stream.indirect_vreg.gather [hbm4b:s25+s1], $0x80, v2, vm0, $0xb8;
	[tilespmem:$0x1C280] =	vst v63  }
0x10d: {  	s3 =	simm.s32 $0xBA80  }
0x10e: {  	[tilespmem:s3], [sflag:$0x2] =	stream.indirect_vreg.gather [hbm4b:s28+s1], $0x80, v2, vm0, $0xb8;
	[tilespmem:$0x1C280] =	vst v63  }
0x10f: {  	s3 =	simm.s32 $0xC280  }
0x110: {  	[tilespmem:s3], [sflag:$0x2] =	stream.indirect_vreg.gather [hbm4b:s29+s1], $0x80, v2, vm0, $0xb8;
	[tilespmem:$0x1C280] =	vst v63  }
0x111: {  	s3 =	simm.s32 $0xCA80  }
0x112: {  	[tilespmem:s3], [sflag:$0x2] =	stream.indirect_vreg.gather [hbm4b:s30+s1], $0x80, v2, vm0, $0xb8;
	[tilespmem:$0x1C280] =	vst v63  }
0x113: {  	s3 =	simm.s32 $0xD280  }
0x114: {  	[tilespmem:s3], [sflag:$0x2] =	stream.indirect_vreg.gather [hbm4b:s31+s1], $0x80, v2, vm0, $0xb8;
	[tilespmem:$0x1C280] =	vst v63  }
0x115: {  	_ =	swait.ge [sflag:s0], $0xD800  }
0x116: {  	s4 =	smov.u32 s2;
	[sflag:s0] =	ssyncset.done $0x0  }
0x117: {  	s2 =	simm.s32 $0xDA80;
	s3 =	rddreg [dreg:$0xa];
	[sflag:s0] =	ssyncadd.s32 $0xFFFF2800  }
0x118: {  	[hbm4b:s3+s1] =	stream.linear.scatter [tilespmem:s2], [sflag:$0x3], $0xD800, $0x38;
	[tilespmem:$0x1C280] =	vst v63  }
0x119: {  	_ =	swait.ge [sflag:s8], $0xD800  }
0x11a: {  	[sflag:s8] =	ssyncset.done $0x0  }
0x11b: {  	[sflag:s8] =	ssyncadd.s32 $0xFFFF2800  }
0x11c: {  	v2 =	vld.msk [tilespmem:$0x200], $0xff;
	_ =	sdelay $0x4  }
0x11d: {  	v3 =	vshrl.u32 v2, $0x3  }
0x11e: {  	v3 =	vmul.u32 $0x1B0, v3  }
0x11f: {  	v2 =	vand.u32 $0x7, v2  }
0x120: {  	v2 =	vor.u32 v2, v3  }
0x121: {  	v2 =	vperm.xlane v2, v0;
	_ =	sdelay $0x1  }
0x122: {  	v2 =	vadd.s32 v1, v2;
	_ =	sdelay $0x3  }
0x123: {  	s3 =	rddreg [dreg:$0x13]  }
0x124: {  	[tilespmem:s2], [sflag:$0x2] =	stream.indirect_vreg.gather [hbm4b:s3+s1], $0x80, v2, vm0, $0xb8;
	[tilespmem:$0x1C280] =	vst v63  }
0x125: {  	s3 =	simm.s32 $0xE280  }
0x126: {  	[tilespmem:s3], [sflag:$0x2] =	stream.indirect_vreg.gather [hbm4b:s5+s1], $0x80, v2, vm0, $0xb8;
	[tilespmem:$0x1C280] =	vst v63  }
0x127: {  	s5 =	simm.s32 $0xEA80  }
0x128: {  	[tilespmem:s5], [sflag:$0x2] =	stream.indirect_vreg.gather [hbm4b:s6+s1], $0x80, v2, vm0, $0xb8;
	[tilespmem:$0x1C280] =	vst v63  }
0x129: {  	s5 =	simm.s32 $0xF280  }
0x12a: {  	[tilespmem:s5], [sflag:$0x2] =	stream.indirect_vreg.gather [hbm4b:s7+s1], $0x80, v2, vm0, $0xb8;
	[tilespmem:$0x1C280] =	vst v63  }
0x12b: {  	s6 =	simm.s32 $0xFA80  }
0x12c: {  	[tilespmem:s6], [sflag:$0x2] =	stream.indirect_vreg.gather [hbm4b:s4+s1], $0x80, v2, vm0, $0xb8;
	[tilespmem:$0x1C280] =	vst v63  }
0x12d: {  	s7 =	simm.s32 $0x10280  }
0x12e: {  	[tilespmem:s7], [sflag:$0x2] =	stream.indirect_vreg.gather [hbm4b:s9+s1], $0x80, v2, vm0, $0xb8;
	[tilespmem:$0x1C280] =	vst v63  }
0x12f: {  	s9 =	simm.s32 $0x10A80  }
0x130: {  	[tilespmem:s9], [sflag:$0x2] =	stream.indirect_vreg.gather [hbm4b:s10+s1], $0x80, v2, vm0, $0xb8;
	[tilespmem:$0x1C280] =	vst v63  }
0x131: {  	s10 =	simm.s32 $0x11280  }
0x132: {  	[tilespmem:s10], [sflag:$0x2] =	stream.indirect_vreg.gather [hbm4b:s11+s1], $0x80, v2, vm0, $0xb8;
	[tilespmem:$0x1C280] =	vst v63  }
0x133: {  	s4 =	simm.s32 $0x11A80  }
0x134: {  	[tilespmem:s4], [sflag:$0x2] =	stream.indirect_vreg.gather [hbm4b:s12+s1], $0x80, v2, vm0, $0xb8;
	[tilespmem:$0x1C280] =	vst v63  }
0x135: {  	s5 =	simm.s32 $0x12280  }
0x136: {  	[tilespmem:s5], [sflag:$0x2] =	stream.indirect_vreg.gather [hbm4b:s13+s1], $0x80, v2, vm0, $0xb8;
	[tilespmem:$0x1C280] =	vst v63  }
0x137: {  	s6 =	simm.s32 $0x12A80  }
0x138: {  	[tilespmem:s6], [sflag:$0x2] =	stream.indirect_vreg.gather [hbm4b:s14+s1], $0x80, v2, vm0, $0xb8;
	[tilespmem:$0x1C280] =	vst v63  }
0x139: {  	s7 =	simm.s32 $0x13280  }
0x13a: {  	[tilespmem:s7], [sflag:$0x2] =	stream.indirect_vreg.gather [hbm4b:s15+s1], $0x80, v2, vm0, $0xb8;
	[tilespmem:$0x1C280] =	vst v63  }
0x13b: {  	s9 =	simm.s32 $0x13A80  }
0x13c: {  	[tilespmem:s9], [sflag:$0x2] =	stream.indirect_vreg.gather [hbm4b:s26+s1], $0x80, v2, vm0, $0xb8;
	[tilespmem:$0x1C280] =	vst v63  }
0x13d: {  	s10 =	simm.s32 $0x14280  }
0x13e: {  	[tilespmem:s10], [sflag:$0x2] =	stream.indirect_vreg.gather [hbm4b:s16+s1], $0x80, v2, vm0, $0xb8;
	[tilespmem:$0x1C280] =	vst v63  }
0x13f: {  	s11 =	simm.s32 $0x14A80  }
0x140: {  	[tilespmem:s11], [sflag:$0x2] =	stream.indirect_vreg.gather [hbm4b:s17+s1], $0x80, v2, vm0, $0xb8;
	[tilespmem:$0x1C280] =	vst v63  }
0x141: {  	s12 =	simm.s32 $0x15280  }
0x142: {  	[tilespmem:s12], [sflag:$0x2] =	stream.indirect_vreg.gather [hbm4b:s18+s1], $0x80, v2, vm0, $0xb8;
	[tilespmem:$0x1C280] =	vst v63  }
0x143: {  	s13 =	simm.s32 $0x15A80  }
0x144: {  	[tilespmem:s13], [sflag:$0x2] =	stream.indirect_vreg.gather [hbm4b:s19+s1], $0x80, v2, vm0, $0xb8;
	[tilespmem:$0x1C280] =	vst v63  }
0x145: {  	s14 =	simm.s32 $0x16280  }
0x146: {  	[tilespmem:s14], [sflag:$0x2] =	stream.indirect_vreg.gather [hbm4b:s20+s1], $0x80, v2, vm0, $0xb8;
	[tilespmem:$0x1C280] =	vst v63  }
0x147: {  	s15 =	simm.s32 $0x16A80  }
0x148: {  	[tilespmem:s15], [sflag:$0x2] =	stream.indirect_vreg.gather [hbm4b:s21+s1], $0x80, v2, vm0, $0xb8;
	[tilespmem:$0x1C280] =	vst v63  }
0x149: {  	s16 =	simm.s32 $0x17280  }
0x14a: {  	[tilespmem:s16], [sflag:$0x2] =	stream.indirect_vreg.gather [hbm4b:s22+s1], $0x80, v2, vm0, $0xb8;
	[tilespmem:$0x1C280] =	vst v63  }
0x14b: {  	s17 =	simm.s32 $0x17A80  }
0x14c: {  	[tilespmem:s17], [sflag:$0x2] =	stream.indirect_vreg.gather [hbm4b:s23+s1], $0x80, v2, vm0, $0xb8;
	[tilespmem:$0x1C280] =	vst v63  }
0x14d: {  	s18 =	simm.s32 $0x18280  }
0x14e: {  	[tilespmem:s18], [sflag:$0x2] =	stream.indirect_vreg.gather [hbm4b:s24+s1], $0x80, v2, vm0, $0xb8;
	[tilespmem:$0x1C280] =	vst v63  }
0x14f: {  	s19 =	simm.s32 $0x18A80  }
0x150: {  	[tilespmem:s19], [sflag:$0x2] =	stream.indirect_vreg.gather [hbm4b:s25+s1], $0x80, v2, vm0, $0xb8;
	[tilespmem:$0x1C280] =	vst v63  }
0x151: {  	s20 =	simm.s32 $0x19280  }
0x152: {  	[tilespmem:s20], [sflag:$0x2] =	stream.indirect_vreg.gather [hbm4b:s28+s1], $0x80, v2, vm0, $0xb8;
	[tilespmem:$0x1C280] =	vst v63  }
0x153: {  	s21 =	simm.s32 $0x19A80  }
0x154: {  	[tilespmem:s21], [sflag:$0x2] =	stream.indirect_vreg.gather [hbm4b:s29+s1], $0x80, v2, vm0, $0xb8;
	[tilespmem:$0x1C280] =	vst v63  }
0x155: {  	s22 =	simm.s32 $0x1A280  }
0x156: {  	[tilespmem:s22], [sflag:$0x2] =	stream.indirect_vreg.gather [hbm4b:s30+s1], $0x80, v2, vm0, $0xb8;
	[tilespmem:$0x1C280] =	vst v63  }
0x157: {  	s23 =	simm.s32 $0x1AA80  }
0x158: {  	[tilespmem:s23], [sflag:$0x2] =	stream.indirect_vreg.gather [hbm4b:s31+s1], $0x80, v2, vm0, $0xb8;
	[tilespmem:$0x1C280] =	vst v63  }
0x159: {  	_ =	swait.ge [sflag:s0], $0xD800  }
0x15a: {  	[sflag:s0] =	ssyncset.done $0x0  }
0x15b: {  	s25 =	simm.s32 $0x280;
	s24 =	rddreg [dreg:$0xb];
	[sflag:s0] =	ssyncadd.s32 $0xFFFF2800  }
0x15c: {  	[hbm4b:s24+s1] =	stream.linear.scatter [tilespmem:s25], [sflag:$0x3], $0xD800, $0x38;
	[tilespmem:$0x1C280] =	vst v63  }
0x15d: {  	_ =	swait.ge [sflag:s8], $0xD800  }
0x15e: {  	[sflag:s8] =	ssyncset.done $0x0  }
0x15f: {  	[sflag:s8] =	ssyncadd.s32 $0xFFFF2800  }
0x160: {  	_ =	swait.ge [sflag:s0], $0xD800  }
0x161: {  	[sflag:s0] =	ssyncset.done $0x0  }
0x162: {  	s2 =	simm.s32 $0xDA80;
	s26 =	rddreg [dreg:$0xc];
	[sflag:s0] =	ssyncadd.s32 $0xFFFF2800  }
0x163: {  	[hbm4b:s26+s1] =	stream.linear.scatter [tilespmem:s2], [sflag:$0x3], $0xD800, $0x38;
	[tilespmem:$0x1C280] =	vst v63  }
0x164: {  	_ =	swait.ge [sflag:s8], $0xD800  }
0x165: {  	[sflag:s8] =	ssyncset.done $0x0  }
0x166: {  	s28 =	simm.s32 $0x1;
	[sflag:s8] =	ssyncadd.s32 $0xFFFF2800  }
0x167: {  	_ =	swait.ge [sflag:s28], $0x1000  }
0x168: {  	s31 =	sld [smem:$0x7EF];
	_ =	sdelay $0x2  }
0x169: {  	s30 =	simm.s32 $0x1B280;
	[sflag:s28] =	ssyncset.done $0x0;
	p0 =	sne.s32 s31, $0x1  }
.Ltmp0:
0x16a: {  	s29 =	rddreg [dreg:$0xd];
	[sflag:s28] =	ssyncadd.s32 $0xFFFFF000;
	(pc) =	sbr.rel @p0 .LBB2_1-.Ltmp0, $4  }
0x16b: {  	[hbm4b:s29+s1] =	stream.linear.scatter [tilespmem:s30], [sflag:$0x3], $0x1000, $0x38;
	[tilespmem:$0x1C280] =	vst v63  }
0x16c: {  	_ =	swait.ge [sflag:s8], $0x1000  }
0x16d: {  	[sflag:s8] =	ssyncset.done $0x0  }
0x16e: {  	s3 =	sadd.s32 $0xFFFFFFFF, s31;
	[sflag:s8] =	ssyncadd.s32 $0xFFFFF000  }
0x16f: {  	_ =	sfence.sel $0x180000  }
0x170: {  	[bflag:$0x0] =	sbarrier.arrive $0xFFFF  }
0x171: {  	_ =	strace $0x90000047  }
0x172: {  	s0 =	stileid.u32;
	[bflag:$0x2] =	sbarrier.arrive $0xFFFF  }
0x173: {  	p0 =	sne.s32 s0, $0x0;
	s0 =	rddreg [dreg:$0x2]  }
0x174: {  	s0 =	sadd.s32 @!p0 $0x100000, s0  }
0x175: {  	[sflag:s0] =	ssyncadd.tile.s32 @!p0 $0x1;
	_ =	shalt  }
.Lfunc_end2:
_tile_overlayer_lowered:
.L_overlay_start_2:
0x176: {  	(tag) =	ssettag $0x2  }
0x177: {  	s0 =	rddreg [dreg:$0x0];
	s2 =	stileid.u32  }
0x178: {  	s1 =	rddreg [dreg:$0x1];
	p0 =	sne.s32 s2, $0x0  }
0x179: {  	s3 =	rddreg [dreg:$0x2];
	[bflag:$0x3] =	sbarrier.arrive $0xFFFF;
	s2 =	simm.s32 @!p0 $0x1C03  }
0x17a: {  	[timem:s3], [sflag:s2] =	dma.local @!p0 [hbm:s0], s1  }
0x17b: {  	s0 =	simm.s32 @!p0 $0x3  }
0x17c: {  	_ =	swait.ge @!p0 [sflag:s0], s1  }
0x17d: {  	s1 =	ssub.s32 @!p0 $0x0, s1;
	[sflag:s0] =	ssyncset.done @!p0 $0x0  }
0x17e: {  	[sflag:s0] =	ssyncadd.s32 @!p0 s1  }
0x17f: {  	[bflag:$0x3] =	sbarrier.arrive $0xFFFF  }
0x180: {  	_ =	shalt  }

</sc_bundles>
